<compile_context>
chip_gen: v7x
topology: tpu7x:2x2x1
jax: 0.10.2.dev20260603
libtpu: 0.0.44.dev20260713+nightly
codegen_flags: <defaults>
</compile_context>

<pallas_src>
import functools

import jax
import jax.numpy as jnp
from jax import lax
from jax.experimental import pallas as pl
from jax.experimental.pallas import tpu as pltpu
from jax.experimental.pallas import tpu_sc as plsc

N = 10000
E = 160000
IN_DIM = 128
OUT_DIM = 64
HEADS = 5
NUM_RELS = 20
HP = 16
FEAT = HEADS * OUT_DIM
HALF = FEAT // 2
NSC = 2
NTILE = 16
EPT = E // NTILE
C = 80
NCHUNK = EPT // C
ROWS_PT = N // NTILE
ROWS_LAST0 = (NTILE - 1) * (ROWS_PT - 1)
ROWS_LAST = N - ROWS_LAST0
JBLK = HALF // 16

ROW_BLK = 1000


def _tc_body(x_ref, wfc_ref, wu_ref, wv_ref, wself_ref,
             z_ref, u_ref, v_ref, s_ref):
    x = x_ref[...]
    z = jnp.dot(x, wfc_ref[...], preferred_element_type=jnp.float32)
    z_ref[...] = z
    u_ref[...] = jnp.dot(z, wu_ref[...], preferred_element_type=jnp.float32)
    v_ref[...] = jnp.dot(z, wv_ref[...], preferred_element_type=jnp.float32)
    s_ref[...] = jnp.dot(x, wself_ref[...], preferred_element_type=jnp.float32)


def _dense_stage(x, wfc_t, wu_mat, wv_mat, wself_t):
    grid = (N // ROW_BLK,)
    return pl.pallas_call(
        _tc_body,
        grid=grid,
        in_specs=[
            pl.BlockSpec((ROW_BLK, IN_DIM), lambda i: (i, 0)),
            pl.BlockSpec((IN_DIM, OUT_DIM), lambda i: (0, 0)),
            pl.BlockSpec((OUT_DIM, NUM_RELS * HP), lambda i: (0, 0)),
            pl.BlockSpec((OUT_DIM, NUM_RELS * HP), lambda i: (0, 0)),
            pl.BlockSpec((IN_DIM, FEAT), lambda i: (0, 0)),
        ],
        out_specs=[
            pl.BlockSpec((ROW_BLK, OUT_DIM), lambda i: (i, 0)),
            pl.BlockSpec((ROW_BLK, NUM_RELS * HP), lambda i: (i, 0)),
            pl.BlockSpec((ROW_BLK, NUM_RELS * HP), lambda i: (i, 0)),
            pl.BlockSpec((ROW_BLK, FEAT), lambda i: (i, 0)),
        ],
        out_shape=[
            jax.ShapeDtypeStruct((N, OUT_DIM), jnp.float32),
            jax.ShapeDtypeStruct((N, NUM_RELS * HP), jnp.float32),
            jax.ShapeDtypeStruct((N, NUM_RELS * HP), jnp.float32),
            jax.ShapeDtypeStruct((N, FEAT), jnp.float32),
        ],
    )(x, wfc_t, wu_mat, wv_mat, wself_t)


def _sc_edge_body(z_hbm, u_hbm, v_hbm, s0_hbm, s1_hbm, src_hbm, dst_hbm,
                  rel_hbm, out0_hbm, out1_hbm, acc, src_v, dst_v, rel_v,
                  uidx_v, vidx_v, u_v, v_v, zs_v, msg_v, sem):
    c = lax.axis_index("c")
    t = lax.axis_index("s")
    col0 = c * HALF

    heads = [(col0 + 16 * j) // OUT_DIM for j in range(JBLK)]
    doffs = [(col0 + 16 * j) % OUT_DIM for j in range(JBLK)]
    head_idxvecs = [jnp.full((16,), h, dtype=jnp.int32) for h in heads]

    r0 = t * (ROWS_PT - 1)

    def _strip_copy(src_at, dst_at):
        @pl.when(t < NTILE - 1)
        def _small():
            pltpu.sync_copy(src_at(r0, ROWS_PT - 1), dst_at(r0, ROWS_PT - 1))

        @pl.when(t == NTILE - 1)
        def _last():
            pltpu.sync_copy(src_at(ROWS_LAST0, ROWS_LAST),
                            dst_at(ROWS_LAST0, ROWS_LAST))

    @pl.when(c == 0)
    def _init0():
        _strip_copy(lambda r, n: s0_hbm.at[pl.ds(r, n)],
                    lambda r, n: acc.at[pl.ds(r, n)])

    @pl.when(c == 1)
    def _init1():
        _strip_copy(lambda r, n: s1_hbm.at[pl.ds(r, n)],
                    lambda r, n: acc.at[pl.ds(r, n)])

    plsc.subcore_barrier()

    base = t * EPT

    def chunk_body(k, carry):
        off = base + k * C
        pltpu.sync_copy(src_hbm.at[pl.ds(off, C)], src_v)
        pltpu.sync_copy(dst_hbm.at[pl.ds(off, C)], dst_v)
        pltpu.sync_copy(rel_hbm.at[pl.ds(off, C)], rel_v)
        for i in range(C // 16):
            sl = pl.ds(i * 16, 16)
            r16 = rel_v[sl]
            uidx_v[sl] = src_v[sl] * NUM_RELS + r16
            vidx_v[sl] = dst_v[sl] * NUM_RELS + r16
        cp1 = pltpu.async_copy(u_hbm.at[uidx_v], u_v, sem)
        cp2 = pltpu.async_copy(v_hbm.at[vidx_v], v_v, sem)
        cp3 = pltpu.async_copy(z_hbm.at[src_v], zs_v, sem)
        cp1.wait()
        cp2.wait()
        cp3.wait()

        def edge_body(e, carry2):
            a = u_v[e, :] + v_v[e, :]
            att = jnp.maximum(a, 0.01 * a)
            for j in range(JBLK):
                splat = att.at[head_idxvecs[j]].get(mode="promise_in_bounds")
                z16 = zs_v[e, pl.ds(doffs[j], 16)]
                msg_v[e, pl.ds(j * 16, 16)] = splat * z16
            return carry2

        lax.fori_loop(0, C, edge_body, 0)
        pltpu.sync_copy(msg_v, acc.at[dst_v], add=True)
        return carry

    lax.fori_loop(0, NCHUNK, chunk_body, 0)
    plsc.subcore_barrier()

    @pl.when(c == 0)
    def _out0():
        _strip_copy(lambda r, n: acc.at[pl.ds(r, n)],
                    lambda r, n: out0_hbm.at[pl.ds(r, n)])

    @pl.when(c == 1)
    def _out1():
        _strip_copy(lambda r, n: acc.at[pl.ds(r, n)],
                    lambda r, n: out1_hbm.at[pl.ds(r, n)])


def _build_sc_kernel():
    return pl.kernel(
        _sc_edge_body,
        out_type=[jax.ShapeDtypeStruct((N, HALF), jnp.float32),
                  jax.ShapeDtypeStruct((N, HALF), jnp.float32)],
        mesh=plsc.VectorSubcoreMesh(core_axis_name="c", subcore_axis_name="s",
                                    num_cores=NSC, num_subcores=NTILE),
        scratch_types=[
            pltpu.VMEM_SHARED((N, HALF), jnp.float32),
            pltpu.VMEM((C,), jnp.int32),
            pltpu.VMEM((C,), jnp.int32),
            pltpu.VMEM((C,), jnp.int32),
            pltpu.VMEM((C,), jnp.int32),
            pltpu.VMEM((C,), jnp.int32),
            pltpu.VMEM((C, HP), jnp.float32),
            pltpu.VMEM((C, HP), jnp.float32),
            pltpu.VMEM((C, OUT_DIM), jnp.float32),
            pltpu.VMEM((C, HALF), jnp.float32),
            pltpu.SemaphoreType.DMA,
        ],
        compiler_params=pltpu.CompilerParams(use_tc_tiling_on_sc=False),
    )


@jax.jit
def kernel(x, edge_index, rel_type, W_fc, W_self, attn_w):
    wfc_t = W_fc.T
    pad = ((0, 0), (0, 0), (0, HP - HEADS))
    wu_mat = jnp.pad(attn_w[:, :OUT_DIM, :], pad)
    wu_mat = wu_mat.transpose(1, 0, 2).reshape(OUT_DIM, NUM_RELS * HP)
    wv_mat = jnp.pad(attn_w[:, OUT_DIM:, :], pad)
    wv_mat = wv_mat.transpose(1, 0, 2).reshape(OUT_DIM, NUM_RELS * HP)
    wself_t = W_self.T

    z, u_tab, v_tab, s_tab = _dense_stage(x, wfc_t, wu_mat, wv_mat, wself_t)
    u_tab = u_tab.reshape(N * NUM_RELS, HP)
    v_tab = v_tab.reshape(N * NUM_RELS, HP)

    src = edge_index[0]
    dst = edge_index[1]
    s0 = s_tab[:, :HALF]
    s1 = s_tab[:, HALF:]
    out0, out1 = _build_sc_kernel()(z, u_tab, v_tab, s0, s1, src, dst,
                                    rel_type)
    return jnp.concatenate([out0, out1], axis=1)

# --- scband reference (transcript-rebuilt; emitter-appended) ---
"""Pipeline reference for scband-rgatlayer-68917045231753 (READ-ONLY COPY).

The authoritative reference and input builder live on the scoring server;
editing this copy changes nothing except your own understanding.
"""

import jax, jax.numpy as jnp
import numpy as np

N = 10000
E = 160000
IN_DIM = 128
OUT_DIM = 64
HEADS = 5
NUM_RELS = 20


def setup_inputs(seed: int = 0) -> dict:
    key = jax.random.key(seed)
    ks = jax.random.split(key, 6)
    x = jax.random.normal(ks[0], (N, IN_DIM), dtype=jnp.float32)
    edge_index = jax.random.randint(ks[1], (2, E), 0, N, dtype=jnp.int32)
    rel_type = jax.random.randint(ks[2], (E,), 0, NUM_RELS, dtype=jnp.int32)
    gain = np.float32(np.sqrt(2.0))
    W_fc = (gain * np.float32(np.sqrt(2.0 / (IN_DIM + OUT_DIM)))) * jax.random.normal(ks[3], (OUT_DIM, IN_DIM), dtype=jnp.float32)
    W_self = (gain * np.float32(np.sqrt(2.0 / (IN_DIM + HEADS * OUT_DIM)))) * jax.random.normal(ks[4], (HEADS * OUT_DIM, IN_DIM), dtype=jnp.float32)
    attn_w = (gain * np.float32(np.sqrt(2.0 / (2 * OUT_DIM + HEADS)))) * jax.random.normal(ks[5], (NUM_RELS, 2 * OUT_DIM, HEADS), dtype=jnp.float32)
    return {"x": x, "edge_index": edge_index, "rel_type": rel_type, "W_fc": W_fc, "W_self": W_self, "attn_w": attn_w}


def reference(x, edge_index, rel_type, W_fc, W_self, attn_w):
    # z = self.fc(h)
    z = x @ W_fc.T
    src = edge_index[0]
    dst = edge_index[1]
    # edge_attention: z2 = cat([src z, dst z]); w = attention_weight[rel_type]; a = bmm(z2, w)
    z_src = jnp.take(z, src, axis=0)              # [E, OUT_DIM] gather
    z_dst = jnp.take(z, dst, axis=0)              # [E, OUT_DIM] gather
    z2 = jnp.concatenate([z_src, z_dst], axis=1)  # [E, 2*OUT_DIM]
    w = jnp.take(attn_w, rel_type, axis=0)        # [E, 2*OUT_DIM, HEADS] gather
    a = jnp.einsum('ec,ech->eh', z2, w)           # bmm(z2.unsqueeze(1), w).squeeze()
    attention = jax.nn.leaky_relu(a, negative_slope=0.01)
    # reduce_func: outer product of attention and message z, flatten, sum over in-edges
    msg = jnp.einsum('eh,ed->ehd', attention, z_src).reshape(E, HEADS * OUT_DIM)
    h = jax.ops.segment_sum(msg, dst, num_segments=N)  # scatter-add over dst nodes
    # self interaction: h = h + self_fc(nodes.data['h'])
    h = h + x @ W_self.T
    return h

if __name__ == "__main__":
    import jax
    _d = setup_inputs()
    print(jax.jit(kernel)(*tuple(_d.values())))

</pallas_src>

<mosaic_0001>
#map = affine_map<(d0, d1) -> (0, 0)>
#map1 = affine_map<(d0, d1) -> (0)>
module attributes {stable_mosaic.version = 14 : i64} {
  func.func @_sc_edge_body(%arg0: i32, %arg1: i32, %arg2: memref<10000x64xf32, #tpu.memory_space<hbm>>, %arg3: memref<200000x16xf32, #tpu.memory_space<hbm>>, %arg4: memref<200000x16xf32, #tpu.memory_space<hbm>>, %arg5: memref<10000x160xf32, #tpu.memory_space<hbm>>, %arg6: memref<10000x160xf32, #tpu.memory_space<hbm>>, %arg7: memref<160000xi32, #tpu.memory_space<hbm>>, %arg8: memref<160000xi32, #tpu.memory_space<hbm>>, %arg9: memref<160000xi32, #tpu.memory_space<hbm>>, %arg10: memref<10000x160xf32, #tpu.memory_space<hbm>>, %arg11: memref<10000x160xf32, #tpu.memory_space<hbm>>, %arg12: memref<10000x160xf32, #tpu.memory_space<vmem_shared>>, %arg13: memref<80xi32, #tpu.memory_space<vmem>>, %arg14: memref<80xi32, #tpu.memory_space<vmem>>, %arg15: memref<80xi32, #tpu.memory_space<vmem>>, %arg16: memref<80xi32, #tpu.memory_space<vmem>>, %arg17: memref<80xi32, #tpu.memory_space<vmem>>, %arg18: memref<80x16xf32, #tpu.memory_space<vmem>>, %arg19: memref<80x16xf32, #tpu.memory_space<vmem>>, %arg20: memref<80x64xf32, #tpu.memory_space<vmem>>, %arg21: memref<80x160xf32, #tpu.memory_space<vmem>>, %arg22: memref<!tpu.dma_semaphore, #tpu.memory_space<semaphore_mem>>) attributes {dimension_semantics = [#tpu.dimension_semantics<core_parallel>, #tpu.dimension_semantics<subcore_parallel>], iteration_bounds = array<i64: 2, 16>, scalar_prefetch = 0 : i64, scratch_operands = 11 : i64, tpu.core_type = #tpu.core_type<sc_vector_subcore>, window_params = [{transform_indices = #map}, {transform_indices = #map}, {transform_indices = #map}, {transform_indices = #map}, {transform_indices = #map}, {transform_indices = #map1}, {transform_indices = #map1}, {transform_indices = #map1}, {transform_indices = #map}, {transform_indices = #map}]} {
    %mul3A = arith.constant 160 : i32
    %mul3A_0 = arith.muli %arg0, %mul3A : i32
    %add3A = arith.constant 0 : i32
    %add3A_1 = arith.addi %mul3A_0, %add3A : i32
    %jit3A = arith.constant 64 : i32
    %div3A = arith.divsi %add3A_1, %jit3A : i32
    %sign3A = arith.constant 0 : i32
    %sign3A_2 = arith.cmpi sgt, %add3A_1, %sign3A : i32
    %sign3A_3 = arith.extui %sign3A_2 : i1 to i32
    %sign3A_4 = arith.constant 0 : i32
    %sign3A_5 = arith.cmpi slt, %add3A_1, %sign3A_4 : i32
    %sign3A_6 = arith.extui %sign3A_5 : i1 to i32
    %sign3A_7 = arith.subi %sign3A_3, %sign3A_6 : i32
    %sign3A_8 = arith.constant 0 : i32
    %sign3A_9 = arith.cmpi sgt, %jit3A, %sign3A_8 : i32
    %sign3A_10 = arith.extui %sign3A_9 : i1 to i32
    %sign3A_11 = arith.constant 0 : i32
    %sign3A_12 = arith.cmpi slt, %jit3A, %sign3A_11 : i32
    %sign3A_13 = arith.extui %sign3A_12 : i1 to i32
    %sign3A_14 = arith.subi %sign3A_10, %sign3A_13 : i32
    %ne3A = arith.cmpi ne, %sign3A_7, %sign3A_14 : i32
    %rem3A = arith.remsi %add3A_1, %jit3A : i32
    %ne3A_15 = arith.constant 0 : i32
    %ne3A_16 = arith.cmpi ne, %rem3A, %ne3A_15 : i32
    %and3A = arith.andi %ne3A, %ne3A_16 : i1
    %sub3A = arith.constant 1 : i32
    %sub3A_17 = arith.subi %div3A, %sub3A : i32
    %select_n3A = arith.select %and3A, %sub3A_17, %div3A : i32
    %add3A_18 = arith.constant 16 : i32
    %add3A_19 = arith.addi %mul3A_0, %add3A_18 : i32
    %jit3A_20 = arith.constant 64 : i32
    %div3A_21 = arith.divsi %add3A_19, %jit3A_20 : i32
    %sign3A_22 = arith.constant 0 : i32
    %sign3A_23 = arith.cmpi sgt, %add3A_19, %sign3A_22 : i32
    %sign3A_24 = arith.extui %sign3A_23 : i1 to i32
    %sign3A_25 = arith.constant 0 : i32
    %sign3A_26 = arith.cmpi slt, %add3A_19, %sign3A_25 : i32
    %sign3A_27 = arith.extui %sign3A_26 : i1 to i32
    %sign3A_28 = arith.subi %sign3A_24, %sign3A_27 : i32
    %sign3A_29 = arith.constant 0 : i32
    %sign3A_30 = arith.cmpi sgt, %jit3A_20, %sign3A_29 : i32
    %sign3A_31 = arith.extui %sign3A_30 : i1 to i32
    %sign3A_32 = arith.constant 0 : i32
    %sign3A_33 = arith.cmpi slt, %jit3A_20, %sign3A_32 : i32
    %sign3A_34 = arith.extui %sign3A_33 : i1 to i32
    %sign3A_35 = arith.subi %sign3A_31, %sign3A_34 : i32
    %ne3A_36 = arith.cmpi ne, %sign3A_28, %sign3A_35 : i32
    %rem3A_37 = arith.remsi %add3A_19, %jit3A_20 : i32
    %ne3A_38 = arith.constant 0 : i32
    %ne3A_39 = arith.cmpi ne, %rem3A_37, %ne3A_38 : i32
    %and3A_40 = arith.andi %ne3A_36, %ne3A_39 : i1
    %sub3A_41 = arith.constant 1 : i32
    %sub3A_42 = arith.subi %div3A_21, %sub3A_41 : i32
    %select_n3A_43 = arith.select %and3A_40, %sub3A_42, %div3A_21 : i32
    %add3A_44 = arith.constant 32 : i32
    %add3A_45 = arith.addi %mul3A_0, %add3A_44 : i32
    %jit3A_46 = arith.constant 64 : i32
    %div3A_47 = arith.divsi %add3A_45, %jit3A_46 : i32
    %sign3A_48 = arith.constant 0 : i32
    %sign3A_49 = arith.cmpi sgt, %add3A_45, %sign3A_48 : i32
    %sign3A_50 = arith.extui %sign3A_49 : i1 to i32
    %sign3A_51 = arith.constant 0 : i32
    %sign3A_52 = arith.cmpi slt, %add3A_45, %sign3A_51 : i32
    %sign3A_53 = arith.extui %sign3A_52 : i1 to i32
    %sign3A_54 = arith.subi %sign3A_50, %sign3A_53 : i32
    %sign3A_55 = arith.constant 0 : i32
    %sign3A_56 = arith.cmpi sgt, %jit3A_46, %sign3A_55 : i32
    %sign3A_57 = arith.extui %sign3A_56 : i1 to i32
    %sign3A_58 = arith.constant 0 : i32
    %sign3A_59 = arith.cmpi slt, %jit3A_46, %sign3A_58 : i32
    %sign3A_60 = arith.extui %sign3A_59 : i1 to i32
    %sign3A_61 = arith.subi %sign3A_57, %sign3A_60 : i32
    %ne3A_62 = arith.cmpi ne, %sign3A_54, %sign3A_61 : i32
    %rem3A_63 = arith.remsi %add3A_45, %jit3A_46 : i32
    %ne3A_64 = arith.constant 0 : i32
    %ne3A_65 = arith.cmpi ne, %rem3A_63, %ne3A_64 : i32
    %and3A_66 = arith.andi %ne3A_62, %ne3A_65 : i1
    %sub3A_67 = arith.constant 1 : i32
    %sub3A_68 = arith.subi %div3A_47, %sub3A_67 : i32
    %select_n3A_69 = arith.select %and3A_66, %sub3A_68, %div3A_47 : i32
    %add3A_70 = arith.constant 48 : i32
    %add3A_71 = arith.addi %mul3A_0, %add3A_70 : i32
    %jit3A_72 = arith.constant 64 : i32
    %div3A_73 = arith.divsi %add3A_71, %jit3A_72 : i32
    %sign3A_74 = arith.constant 0 : i32
    %sign3A_75 = arith.cmpi sgt, %add3A_71, %sign3A_74 : i32
    %sign3A_76 = arith.extui %sign3A_75 : i1 to i32
    %sign3A_77 = arith.constant 0 : i32
    %sign3A_78 = arith.cmpi slt, %add3A_71, %sign3A_77 : i32
    %sign3A_79 = arith.extui %sign3A_78 : i1 to i32
    %sign3A_80 = arith.subi %sign3A_76, %sign3A_79 : i32
    %sign3A_81 = arith.constant 0 : i32
    %sign3A_82 = arith.cmpi sgt, %jit3A_72, %sign3A_81 : i32
    %sign3A_83 = arith.extui %sign3A_82 : i1 to i32
    %sign3A_84 = arith.constant 0 : i32
    %sign3A_85 = arith.cmpi slt, %jit3A_72, %sign3A_84 : i32
    %sign3A_86 = arith.extui %sign3A_85 : i1 to i32
    %sign3A_87 = arith.subi %sign3A_83, %sign3A_86 : i32
    %ne3A_88 = arith.cmpi ne, %sign3A_80, %sign3A_87 : i32
    %rem3A_89 = arith.remsi %add3A_71, %jit3A_72 : i32
    %ne3A_90 = arith.constant 0 : i32
    %ne3A_91 = arith.cmpi ne, %rem3A_89, %ne3A_90 : i32
    %and3A_92 = arith.andi %ne3A_88, %ne3A_91 : i1
    %sub3A_93 = arith.constant 1 : i32
    %sub3A_94 = arith.subi %div3A_73, %sub3A_93 : i32
    %select_n3A_95 = arith.select %and3A_92, %sub3A_94, %div3A_73 : i32
    %add3A_96 = arith.constant 64 : i32
    %add3A_97 = arith.addi %mul3A_0, %add3A_96 : i32
    %jit3A_98 = arith.constant 64 : i32
    %div3A_99 = arith.divsi %add3A_97, %jit3A_98 : i32
    %sign3A_100 = arith.constant 0 : i32
    %sign3A_101 = arith.cmpi sgt, %add3A_97, %sign3A_100 : i32
    %sign3A_102 = arith.extui %sign3A_101 : i1 to i32
    %sign3A_103 = arith.constant 0 : i32
    %sign3A_104 = arith.cmpi slt, %add3A_97, %sign3A_103 : i32
    %sign3A_105 = arith.extui %sign3A_104 : i1 to i32
    %sign3A_106 = arith.subi %sign3A_102, %sign3A_105 : i32
    %sign3A_107 = arith.constant 0 : i32
    %sign3A_108 = arith.cmpi sgt, %jit3A_98, %sign3A_107 : i32
    %sign3A_109 = arith.extui %sign3A_108 : i1 to i32
    %sign3A_110 = arith.constant 0 : i32
    %sign3A_111 = arith.cmpi slt, %jit3A_98, %sign3A_110 : i32
    %sign3A_112 = arith.extui %sign3A_111 : i1 to i32
    %sign3A_113 = arith.subi %sign3A_109, %sign3A_112 : i32
    %ne3A_114 = arith.cmpi ne, %sign3A_106, %sign3A_113 : i32
    %rem3A_115 = arith.remsi %add3A_97, %jit3A_98 : i32
    %ne3A_116 = arith.constant 0 : i32
    %ne3A_117 = arith.cmpi ne, %rem3A_115, %ne3A_116 : i32
    %and3A_118 = arith.andi %ne3A_114, %ne3A_117 : i1
    %sub3A_119 = arith.constant 1 : i32
    %sub3A_120 = arith.subi %div3A_99, %sub3A_119 : i32
    %select_n3A_121 = arith.select %and3A_118, %sub3A_120, %div3A_99 : i32
    %add3A_122 = arith.constant 80 : i32
    %add3A_123 = arith.addi %mul3A_0, %add3A_122 : i32
    %jit3A_124 = arith.constant 64 : i32
    %div3A_125 = arith.divsi %add3A_123, %jit3A_124 : i32
    %sign3A_126 = arith.constant 0 : i32
    %sign3A_127 = arith.cmpi sgt, %add3A_123, %sign3A_126 : i32
    %sign3A_128 = arith.extui %sign3A_127 : i1 to i32
    %sign3A_129 = arith.constant 0 : i32
    %sign3A_130 = arith.cmpi slt, %add3A_123, %sign3A_129 : i32
    %sign3A_131 = arith.extui %sign3A_130 : i1 to i32
    %sign3A_132 = arith.subi %sign3A_128, %sign3A_131 : i32
    %sign3A_133 = arith.constant 0 : i32
    %sign3A_134 = arith.cmpi sgt, %jit3A_124, %sign3A_133 : i32
    %sign3A_135 = arith.extui %sign3A_134 : i1 to i32
    %sign3A_136 = arith.constant 0 : i32
    %sign3A_137 = arith.cmpi slt, %jit3A_124, %sign3A_136 : i32
    %sign3A_138 = arith.extui %sign3A_137 : i1 to i32
    %sign3A_139 = arith.subi %sign3A_135, %sign3A_138 : i32
    %ne3A_140 = arith.cmpi ne, %sign3A_132, %sign3A_139 : i32
    %rem3A_141 = arith.remsi %add3A_123, %jit3A_124 : i32
    %ne3A_142 = arith.constant 0 : i32
    %ne3A_143 = arith.cmpi ne, %rem3A_141, %ne3A_142 : i32
    %and3A_144 = arith.andi %ne3A_140, %ne3A_143 : i1
    %sub3A_145 = arith.constant 1 : i32
    %sub3A_146 = arith.subi %div3A_125, %sub3A_145 : i32
    %select_n3A_147 = arith.select %and3A_144, %sub3A_146, %div3A_125 : i32
    %add3A_148 = arith.constant 96 : i32
    %add3A_149 = arith.addi %mul3A_0, %add3A_148 : i32
    %jit3A_150 = arith.constant 64 : i32
    %div3A_151 = arith.divsi %add3A_149, %jit3A_150 : i32
    %sign3A_152 = arith.constant 0 : i32
    %sign3A_153 = arith.cmpi sgt, %add3A_149, %sign3A_152 : i32
    %sign3A_154 = arith.extui %sign3A_153 : i1 to i32
    %sign3A_155 = arith.constant 0 : i32
    %sign3A_156 = arith.cmpi slt, %add3A_149, %sign3A_155 : i32
    %sign3A_157 = arith.extui %sign3A_156 : i1 to i32
    %sign3A_158 = arith.subi %sign3A_154, %sign3A_157 : i32
    %sign3A_159 = arith.constant 0 : i32
    %sign3A_160 = arith.cmpi sgt, %jit3A_150, %sign3A_159 : i32
    %sign3A_161 = arith.extui %sign3A_160 : i1 to i32
    %sign3A_162 = arith.constant 0 : i32
    %sign3A_163 = arith.cmpi slt, %jit3A_150, %sign3A_162 : i32
    %sign3A_164 = arith.extui %sign3A_163 : i1 to i32
    %sign3A_165 = arith.subi %sign3A_161, %sign3A_164 : i32
    %ne3A_166 = arith.cmpi ne, %sign3A_158, %sign3A_165 : i32
    %rem3A_167 = arith.remsi %add3A_149, %jit3A_150 : i32
    %ne3A_168 = arith.constant 0 : i32
    %ne3A_169 = arith.cmpi ne, %rem3A_167, %ne3A_168 : i32
    %and3A_170 = arith.andi %ne3A_166, %ne3A_169 : i1
    %sub3A_171 = arith.constant 1 : i32
    %sub3A_172 = arith.subi %div3A_151, %sub3A_171 : i32
    %select_n3A_173 = arith.select %and3A_170, %sub3A_172, %div3A_151 : i32
    %add3A_174 = arith.constant 112 : i32
    %add3A_175 = arith.addi %mul3A_0, %add3A_174 : i32
    %jit3A_176 = arith.constant 64 : i32
    %div3A_177 = arith.divsi %add3A_175, %jit3A_176 : i32
    %sign3A_178 = arith.constant 0 : i32
    %sign3A_179 = arith.cmpi sgt, %add3A_175, %sign3A_178 : i32
    %sign3A_180 = arith.extui %sign3A_179 : i1 to i32
    %sign3A_181 = arith.constant 0 : i32
    %sign3A_182 = arith.cmpi slt, %add3A_175, %sign3A_181 : i32
    %sign3A_183 = arith.extui %sign3A_182 : i1 to i32
    %sign3A_184 = arith.subi %sign3A_180, %sign3A_183 : i32
    %sign3A_185 = arith.constant 0 : i32
    %sign3A_186 = arith.cmpi sgt, %jit3A_176, %sign3A_185 : i32
    %sign3A_187 = arith.extui %sign3A_186 : i1 to i32
    %sign3A_188 = arith.constant 0 : i32
    %sign3A_189 = arith.cmpi slt, %jit3A_176, %sign3A_188 : i32
    %sign3A_190 = arith.extui %sign3A_189 : i1 to i32
    %sign3A_191 = arith.subi %sign3A_187, %sign3A_190 : i32
    %ne3A_192 = arith.cmpi ne, %sign3A_184, %sign3A_191 : i32
    %rem3A_193 = arith.remsi %add3A_175, %jit3A_176 : i32
    %ne3A_194 = arith.constant 0 : i32
    %ne3A_195 = arith.cmpi ne, %rem3A_193, %ne3A_194 : i32
    %and3A_196 = arith.andi %ne3A_192, %ne3A_195 : i1
    %sub3A_197 = arith.constant 1 : i32
    %sub3A_198 = arith.subi %div3A_177, %sub3A_197 : i32
    %select_n3A_199 = arith.select %and3A_196, %sub3A_198, %div3A_177 : i32
    %add3A_200 = arith.constant 128 : i32
    %add3A_201 = arith.addi %mul3A_0, %add3A_200 : i32
    %jit3A_202 = arith.constant 64 : i32
    %div3A_203 = arith.divsi %add3A_201, %jit3A_202 : i32
    %sign3A_204 = arith.constant 0 : i32
    %sign3A_205 = arith.cmpi sgt, %add3A_201, %sign3A_204 : i32
    %sign3A_206 = arith.extui %sign3A_205 : i1 to i32
    %sign3A_207 = arith.constant 0 : i32
    %sign3A_208 = arith.cmpi slt, %add3A_201, %sign3A_207 : i32
    %sign3A_209 = arith.extui %sign3A_208 : i1 to i32
    %sign3A_210 = arith.subi %sign3A_206, %sign3A_209 : i32
    %sign3A_211 = arith.constant 0 : i32
    %sign3A_212 = arith.cmpi sgt, %jit3A_202, %sign3A_211 : i32
    %sign3A_213 = arith.extui %sign3A_212 : i1 to i32
    %sign3A_214 = arith.constant 0 : i32
    %sign3A_215 = arith.cmpi slt, %jit3A_202, %sign3A_214 : i32
    %sign3A_216 = arith.extui %sign3A_215 : i1 to i32
    %sign3A_217 = arith.subi %sign3A_213, %sign3A_216 : i32
    %ne3A_218 = arith.cmpi ne, %sign3A_210, %sign3A_217 : i32
    %rem3A_219 = arith.remsi %add3A_201, %jit3A_202 : i32
    %ne3A_220 = arith.constant 0 : i32
    %ne3A_221 = arith.cmpi ne, %rem3A_219, %ne3A_220 : i32
    %and3A_222 = arith.andi %ne3A_218, %ne3A_221 : i1
    %sub3A_223 = arith.constant 1 : i32
    %sub3A_224 = arith.subi %div3A_203, %sub3A_223 : i32
    %select_n3A_225 = arith.select %and3A_222, %sub3A_224, %div3A_203 : i32
    %add3A_226 = arith.constant 144 : i32
    %add3A_227 = arith.addi %mul3A_0, %add3A_226 : i32
    %jit3A_228 = arith.constant 64 : i32
    %div3A_229 = arith.divsi %add3A_227, %jit3A_228 : i32
    %sign3A_230 = arith.constant 0 : i32
    %sign3A_231 = arith.cmpi sgt, %add3A_227, %sign3A_230 : i32
    %sign3A_232 = arith.extui %sign3A_231 : i1 to i32
    %sign3A_233 = arith.constant 0 : i32
    %sign3A_234 = arith.cmpi slt, %add3A_227, %sign3A_233 : i32
    %sign3A_235 = arith.extui %sign3A_234 : i1 to i32
    %sign3A_236 = arith.subi %sign3A_232, %sign3A_235 : i32
    %sign3A_237 = arith.constant 0 : i32
    %sign3A_238 = arith.cmpi sgt, %jit3A_228, %sign3A_237 : i32
    %sign3A_239 = arith.extui %sign3A_238 : i1 to i32
    %sign3A_240 = arith.constant 0 : i32
    %sign3A_241 = arith.cmpi slt, %jit3A_228, %sign3A_240 : i32
    %sign3A_242 = arith.extui %sign3A_241 : i1 to i32
    %sign3A_243 = arith.subi %sign3A_239, %sign3A_242 : i32
    %ne3A_244 = arith.cmpi ne, %sign3A_236, %sign3A_243 : i32
    %rem3A_245 = arith.remsi %add3A_227, %jit3A_228 : i32
    %ne3A_246 = arith.constant 0 : i32
    %ne3A_247 = arith.cmpi ne, %rem3A_245, %ne3A_246 : i32
    %and3A_248 = arith.andi %ne3A_244, %ne3A_247 : i1
    %sub3A_249 = arith.constant 1 : i32
    %sub3A_250 = arith.subi %div3A_229, %sub3A_249 : i32
    %select_n3A_251 = arith.select %and3A_248, %sub3A_250, %div3A_229 : i32
    %add3A_252 = arith.constant 0 : i32
    %add3A_253 = arith.addi %mul3A_0, %add3A_252 : i32
    %jit3A_254 = arith.constant 64 : i32
    %eq3A = arith.constant 0 : i32
    %eq3A_255 = arith.cmpi eq, %jit3A_254, %eq3A : i32
    %jit3A_256 = arith.constant 1 : i32
    %select_n3A_257 = arith.select %eq3A_255, %jit3A_256, %jit3A_254 : i32
    %rem3A_258 = arith.remsi %add3A_253, %select_n3A_257 : i32
    %ne3A_259 = arith.constant 0 : i32
    %ne3A_260 = arith.cmpi ne, %rem3A_258, %ne3A_259 : i32
    %lt3A = arith.constant 0 : i32
    %lt3A_261 = arith.cmpi slt, %rem3A_258, %lt3A : i32
    %lt3A_262 = arith.constant 0 : i32
    %lt3A_263 = arith.cmpi slt, %select_n3A_257, %lt3A_262 : i32
    %ne3A_264 = arith.xori %lt3A_261, %lt3A_263 : i1
    %and3A_265 = arith.andi %ne3A_264, %ne3A_260 : i1
    %add3A_266 = arith.addi %rem3A_258, %select_n3A_257 : i32
    %select_n3A_267 = arith.select %and3A_265, %add3A_266, %rem3A_258 : i32
    %add3A_268 = arith.constant 16 : i32
    %add3A_269 = arith.addi %mul3A_0, %add3A_268 : i32
    %jit3A_270 = arith.constant 64 : i32
    %eq3A_271 = arith.constant 0 : i32
    %eq3A_272 = arith.cmpi eq, %jit3A_270, %eq3A_271 : i32
    %jit3A_273 = arith.constant 1 : i32
    %select_n3A_274 = arith.select %eq3A_272, %jit3A_273, %jit3A_270 : i32
    %rem3A_275 = arith.remsi %add3A_269, %select_n3A_274 : i32
    %ne3A_276 = arith.constant 0 : i32
    %ne3A_277 = arith.cmpi ne, %rem3A_275, %ne3A_276 : i32
    %lt3A_278 = arith.constant 0 : i32
    %lt3A_279 = arith.cmpi slt, %rem3A_275, %lt3A_278 : i32
    %lt3A_280 = arith.constant 0 : i32
    %lt3A_281 = arith.cmpi slt, %select_n3A_274, %lt3A_280 : i32
    %ne3A_282 = arith.xori %lt3A_279, %lt3A_281 : i1
    %and3A_283 = arith.andi %ne3A_282, %ne3A_277 : i1
    %add3A_284 = arith.addi %rem3A_275, %select_n3A_274 : i32
    %select_n3A_285 = arith.select %and3A_283, %add3A_284, %rem3A_275 : i32
    %add3A_286 = arith.constant 32 : i32
    %add3A_287 = arith.addi %mul3A_0, %add3A_286 : i32
    %jit3A_288 = arith.constant 64 : i32
    %eq3A_289 = arith.constant 0 : i32
    %eq3A_290 = arith.cmpi eq, %jit3A_288, %eq3A_289 : i32
    %jit3A_291 = arith.constant 1 : i32
    %select_n3A_292 = arith.select %eq3A_290, %jit3A_291, %jit3A_288 : i32
    %rem3A_293 = arith.remsi %add3A_287, %select_n3A_292 : i32
    %ne3A_294 = arith.constant 0 : i32
    %ne3A_295 = arith.cmpi ne, %rem3A_293, %ne3A_294 : i32
    %lt3A_296 = arith.constant 0 : i32
    %lt3A_297 = arith.cmpi slt, %rem3A_293, %lt3A_296 : i32
    %lt3A_298 = arith.constant 0 : i32
    %lt3A_299 = arith.cmpi slt, %select_n3A_292, %lt3A_298 : i32
    %ne3A_300 = arith.xori %lt3A_297, %lt3A_299 : i1
    %and3A_301 = arith.andi %ne3A_300, %ne3A_295 : i1
    %add3A_302 = arith.addi %rem3A_293, %select_n3A_292 : i32
    %select_n3A_303 = arith.select %and3A_301, %add3A_302, %rem3A_293 : i32
    %add3A_304 = arith.constant 48 : i32
    %add3A_305 = arith.addi %mul3A_0, %add3A_304 : i32
    %jit3A_306 = arith.constant 64 : i32
    %eq3A_307 = arith.constant 0 : i32
    %eq3A_308 = arith.cmpi eq, %jit3A_306, %eq3A_307 : i32
    %jit3A_309 = arith.constant 1 : i32
    %select_n3A_310 = arith.select %eq3A_308, %jit3A_309, %jit3A_306 : i32
    %rem3A_311 = arith.remsi %add3A_305, %select_n3A_310 : i32
    %ne3A_312 = arith.constant 0 : i32
    %ne3A_313 = arith.cmpi ne, %rem3A_311, %ne3A_312 : i32
    %lt3A_314 = arith.constant 0 : i32
    %lt3A_315 = arith.cmpi slt, %rem3A_311, %lt3A_314 : i32
    %lt3A_316 = arith.constant 0 : i32
    %lt3A_317 = arith.cmpi slt, %select_n3A_310, %lt3A_316 : i32
    %ne3A_318 = arith.xori %lt3A_315, %lt3A_317 : i1
    %and3A_319 = arith.andi %ne3A_318, %ne3A_313 : i1
    %add3A_320 = arith.addi %rem3A_311, %select_n3A_310 : i32
    %select_n3A_321 = arith.select %and3A_319, %add3A_320, %rem3A_311 : i32
    %add3A_322 = arith.constant 64 : i32
    %add3A_323 = arith.addi %mul3A_0, %add3A_322 : i32
    %jit3A_324 = arith.constant 64 : i32
    %eq3A_325 = arith.constant 0 : i32
    %eq3A_326 = arith.cmpi eq, %jit3A_324, %eq3A_325 : i32
    %jit3A_327 = arith.constant 1 : i32
    %select_n3A_328 = arith.select %eq3A_326, %jit3A_327, %jit3A_324 : i32
    %rem3A_329 = arith.remsi %add3A_323, %select_n3A_328 : i32
    %ne3A_330 = arith.constant 0 : i32
    %ne3A_331 = arith.cmpi ne, %rem3A_329, %ne3A_330 : i32
    %lt3A_332 = arith.constant 0 : i32
    %lt3A_333 = arith.cmpi slt, %rem3A_329, %lt3A_332 : i32
    %lt3A_334 = arith.constant 0 : i32
    %lt3A_335 = arith.cmpi slt, %select_n3A_328, %lt3A_334 : i32
    %ne3A_336 = arith.xori %lt3A_333, %lt3A_335 : i1
    %and3A_337 = arith.andi %ne3A_336, %ne3A_331 : i1
    %add3A_338 = arith.addi %rem3A_329, %select_n3A_328 : i32
    %select_n3A_339 = arith.select %and3A_337, %add3A_338, %rem3A_329 : i32
    %add3A_340 = arith.constant 80 : i32
    %add3A_341 = arith.addi %mul3A_0, %add3A_340 : i32
    %jit3A_342 = arith.constant 64 : i32
    %eq3A_343 = arith.constant 0 : i32
    %eq3A_344 = arith.cmpi eq, %jit3A_342, %eq3A_343 : i32
    %jit3A_345 = arith.constant 1 : i32
    %select_n3A_346 = arith.select %eq3A_344, %jit3A_345, %jit3A_342 : i32
    %rem3A_347 = arith.remsi %add3A_341, %select_n3A_346 : i32
    %ne3A_348 = arith.constant 0 : i32
    %ne3A_349 = arith.cmpi ne, %rem3A_347, %ne3A_348 : i32
    %lt3A_350 = arith.constant 0 : i32
    %lt3A_351 = arith.cmpi slt, %rem3A_347, %lt3A_350 : i32
    %lt3A_352 = arith.constant 0 : i32
    %lt3A_353 = arith.cmpi slt, %select_n3A_346, %lt3A_352 : i32
    %ne3A_354 = arith.xori %lt3A_351, %lt3A_353 : i1
    %and3A_355 = arith.andi %ne3A_354, %ne3A_349 : i1
    %add3A_356 = arith.addi %rem3A_347, %select_n3A_346 : i32
    %select_n3A_357 = arith.select %and3A_355, %add3A_356, %rem3A_347 : i32
    %add3A_358 = arith.constant 96 : i32
    %add3A_359 = arith.addi %mul3A_0, %add3A_358 : i32
    %jit3A_360 = arith.constant 64 : i32
    %eq3A_361 = arith.constant 0 : i32
    %eq3A_362 = arith.cmpi eq, %jit3A_360, %eq3A_361 : i32
    %jit3A_363 = arith.constant 1 : i32
    %select_n3A_364 = arith.select %eq3A_362, %jit3A_363, %jit3A_360 : i32
    %rem3A_365 = arith.remsi %add3A_359, %select_n3A_364 : i32
    %ne3A_366 = arith.constant 0 : i32
    %ne3A_367 = arith.cmpi ne, %rem3A_365, %ne3A_366 : i32
    %lt3A_368 = arith.constant 0 : i32
    %lt3A_369 = arith.cmpi slt, %rem3A_365, %lt3A_368 : i32
    %lt3A_370 = arith.constant 0 : i32
    %lt3A_371 = arith.cmpi slt, %select_n3A_364, %lt3A_370 : i32
    %ne3A_372 = arith.xori %lt3A_369, %lt3A_371 : i1
    %and3A_373 = arith.andi %ne3A_372, %ne3A_367 : i1
    %add3A_374 = arith.addi %rem3A_365, %select_n3A_364 : i32
    %select_n3A_375 = arith.select %and3A_373, %add3A_374, %rem3A_365 : i32
    %add3A_376 = arith.constant 112 : i32
    %add3A_377 = arith.addi %mul3A_0, %add3A_376 : i32
    %jit3A_378 = arith.constant 64 : i32
    %eq3A_379 = arith.constant 0 : i32
    %eq3A_380 = arith.cmpi eq, %jit3A_378, %eq3A_379 : i32
    %jit3A_381 = arith.constant 1 : i32
    %select_n3A_382 = arith.select %eq3A_380, %jit3A_381, %jit3A_378 : i32
    %rem3A_383 = arith.remsi %add3A_377, %select_n3A_382 : i32
    %ne3A_384 = arith.constant 0 : i32
    %ne3A_385 = arith.cmpi ne, %rem3A_383, %ne3A_384 : i32
    %lt3A_386 = arith.constant 0 : i32
    %lt3A_387 = arith.cmpi slt, %rem3A_383, %lt3A_386 : i32
    %lt3A_388 = arith.constant 0 : i32
    %lt3A_389 = arith.cmpi slt, %select_n3A_382, %lt3A_388 : i32
    %ne3A_390 = arith.xori %lt3A_387, %lt3A_389 : i1
    %and3A_391 = arith.andi %ne3A_390, %ne3A_385 : i1
    %add3A_392 = arith.addi %rem3A_383, %select_n3A_382 : i32
    %select_n3A_393 = arith.select %and3A_391, %add3A_392, %rem3A_383 : i32
    %add3A_394 = arith.constant 128 : i32
    %add3A_395 = arith.addi %mul3A_0, %add3A_394 : i32
    %jit3A_396 = arith.constant 64 : i32
    %eq3A_397 = arith.constant 0 : i32
    %eq3A_398 = arith.cmpi eq, %jit3A_396, %eq3A_397 : i32
    %jit3A_399 = arith.constant 1 : i32
    %select_n3A_400 = arith.select %eq3A_398, %jit3A_399, %jit3A_396 : i32
    %rem3A_401 = arith.remsi %add3A_395, %select_n3A_400 : i32
    %ne3A_402 = arith.constant 0 : i32
    %ne3A_403 = arith.cmpi ne, %rem3A_401, %ne3A_402 : i32
    %lt3A_404 = arith.constant 0 : i32
    %lt3A_405 = arith.cmpi slt, %rem3A_401, %lt3A_404 : i32
    %lt3A_406 = arith.constant 0 : i32
    %lt3A_407 = arith.cmpi slt, %select_n3A_400, %lt3A_406 : i32
    %ne3A_408 = arith.xori %lt3A_405, %lt3A_407 : i1
    %and3A_409 = arith.andi %ne3A_408, %ne3A_403 : i1
    %add3A_410 = arith.addi %rem3A_401, %select_n3A_400 : i32
    %select_n3A_411 = arith.select %and3A_409, %add3A_410, %rem3A_401 : i32
    %add3A_412 = arith.constant 144 : i32
    %add3A_413 = arith.addi %mul3A_0, %add3A_412 : i32
    %jit3A_414 = arith.constant 64 : i32
    %eq3A_415 = arith.constant 0 : i32
    %eq3A_416 = arith.cmpi eq, %jit3A_414, %eq3A_415 : i32
    %jit3A_417 = arith.constant 1 : i32
    %select_n3A_418 = arith.select %eq3A_416, %jit3A_417, %jit3A_414 : i32
    %rem3A_419 = arith.remsi %add3A_413, %select_n3A_418 : i32
    %ne3A_420 = arith.constant 0 : i32
    %ne3A_421 = arith.cmpi ne, %rem3A_419, %ne3A_420 : i32
    %lt3A_422 = arith.constant 0 : i32
    %lt3A_423 = arith.cmpi slt, %rem3A_419, %lt3A_422 : i32
    %lt3A_424 = arith.constant 0 : i32
    %lt3A_425 = arith.cmpi slt, %select_n3A_418, %lt3A_424 : i32
    %ne3A_426 = arith.xori %lt3A_423, %lt3A_425 : i1
    %and3A_427 = arith.andi %ne3A_426, %ne3A_421 : i1
    %add3A_428 = arith.addi %rem3A_419, %select_n3A_418 : i32
    %select_n3A_429 = arith.select %and3A_427, %add3A_428, %rem3A_419 : i32
    %broadcast_in_dim3A = vector.broadcast %select_n3A : i32 to vector<16xi32>
    %broadcast_in_dim3A_430 = vector.broadcast %select_n3A_43 : i32 to vector<16xi32>
    %broadcast_in_dim3A_431 = vector.broadcast %select_n3A_69 : i32 to vector<16xi32>
    %broadcast_in_dim3A_432 = vector.broadcast %select_n3A_95 : i32 to vector<16xi32>
    %broadcast_in_dim3A_433 = vector.broadcast %select_n3A_121 : i32 to vector<16xi32>
    %broadcast_in_dim3A_434 = vector.broadcast %select_n3A_147 : i32 to vector<16xi32>
    %broadcast_in_dim3A_435 = vector.broadcast %select_n3A_173 : i32 to vector<16xi32>
    %broadcast_in_dim3A_436 = vector.broadcast %select_n3A_199 : i32 to vector<16xi32>
    %broadcast_in_dim3A_437 = vector.broadcast %select_n3A_225 : i32 to vector<16xi32>
    %broadcast_in_dim3A_438 = vector.broadcast %select_n3A_251 : i32 to vector<16xi32>
    %mul3A_439 = arith.constant 624 : i32
    %mul3A_440 = arith.muli %arg1, %mul3A_439 : i32
    %eq3A_441 = arith.constant 0 : i32
    %eq3A_442 = arith.cmpi eq, %arg0, %eq3A_441 : i32
    %convert_element_type3A = arith.extui %eq3A_442 : i1 to i32
    %cond3A = arith.constant 0 : i32
    %cond3A_443 = arith.cmpi ne, %convert_element_type3A, %cond3A : i32
    scf.if %cond3A_443 {
      %lt3A_467 = arith.constant 15 : i32
      %lt3A_468 = arith.cmpi slt, %arg1, %lt3A_467 : i32
      %convert_element_type3A_469 = arith.extui %lt3A_468 : i1 to i32
      %cond3A_470 = arith.constant 0 : i32
      %cond3A_471 = arith.cmpi ne, %convert_element_type3A_469, %cond3A_470 : i32
      scf.if %cond3A_471 {
        "tpu.region"() ({
          %run_scoped3A = tpu.sem_alloc : memref<!tpu.dma_semaphore, #tpu.memory_space<semaphore_mem>>
          %dma_start3A = arith.constant 0 : i32
          %dma_start3A_477 = tpu.memref_slice %arg12[%mul3A_440, %dma_start3A] : memref<10000x160xf32, #tpu.memory_space<vmem_shared>> -> memref<624x160xf32, #tpu.memory_space<vmem_shared>>
          %dma_start3A_478 = arith.constant 0 : i32
          %dma_start3A_479 = tpu.memref_slice %arg5[%mul3A_440, %dma_start3A_478] : memref<10000x160xf32, #tpu.memory_space<hbm>> -> memref<624x160xf32, #tpu.memory_space<hbm>>
          tpu.enqueue_dma source(%dma_start3A_479 : memref<624x160xf32, #tpu.memory_space<hbm>>) target(%dma_start3A_477 : memref<624x160xf32, #tpu.memory_space<vmem_shared>>) target_semaphore(%run_scoped3A : memref<!tpu.dma_semaphore, #tpu.memory_space<semaphore_mem>>)
          %dma_wait3A = arith.constant 0 : i32
          %dma_wait3A_480 = tpu.memref_slice %arg12[%mul3A_440, %dma_wait3A] : memref<10000x160xf32, #tpu.memory_space<vmem_shared>> -> memref<624x160xf32, #tpu.memory_space<vmem_shared>>
          %dma_wait3A_481 = arith.constant 0 : i32
          %dma_wait3A_482 = tpu.memref_slice %arg5[%mul3A_440, %dma_wait3A_481] : memref<10000x160xf32, #tpu.memory_space<hbm>> -> memref<624x160xf32, #tpu.memory_space<hbm>>
          tpu.wait_dma2 semaphore(%run_scoped3A : memref<!tpu.dma_semaphore, #tpu.memory_space<semaphore_mem>>) src(%dma_wait3A_482 : memref<624x160xf32, #tpu.memory_space<hbm>>) dst(%dma_wait3A_480 : memref<624x160xf32, #tpu.memory_space<vmem_shared>>)
          tpu.yield
        }) : () -> ()
      } else {
      }
      %eq3A_472 = arith.constant 15 : i32
      %eq3A_473 = arith.cmpi eq, %arg1, %eq3A_472 : i32
      %convert_element_type3A_474 = arith.extui %eq3A_473 : i1 to i32
      %cond3A_475 = arith.constant 0 : i32
      %cond3A_476 = arith.cmpi ne, %convert_element_type3A_474, %cond3A_475 : i32
      scf.if %cond3A_476 {
        "tpu.region"() ({
          %run_scoped3A = tpu.sem_alloc : memref<!tpu.dma_semaphore, #tpu.memory_space<semaphore_mem>>
          %dma_start3A = arith.constant 9360 : i32
          %dma_start3A_477 = arith.constant 0 : i32
          %dma_start3A_478 = tpu.memref_slice %arg12[%dma_start3A, %dma_start3A_477] : memref<10000x160xf32, #tpu.memory_space<vmem_shared>> -> memref<640x160xf32, #tpu.memory_space<vmem_shared>>
          %dma_start3A_479 = arith.constant 9360 : i32
          %dma_start3A_480 = arith.constant 0 : i32
          %dma_start3A_481 = tpu.memref_slice %arg5[%dma_start3A_479, %dma_start3A_480] : memref<10000x160xf32, #tpu.memory_space<hbm>> -> memref<640x160xf32, #tpu.memory_space<hbm>>
          tpu.enqueue_dma source(%dma_start3A_481 : memref<640x160xf32, #tpu.memory_space<hbm>>) target(%dma_start3A_478 : memref<640x160xf32, #tpu.memory_space<vmem_shared>>) target_semaphore(%run_scoped3A : memref<!tpu.dma_semaphore, #tpu.memory_space<semaphore_mem>>)
          %dma_wait3A = arith.constant 9360 : i32
          %dma_wait3A_482 = arith.constant 0 : i32
          %dma_wait3A_483 = tpu.memref_slice %arg12[%dma_wait3A, %dma_wait3A_482] : memref<10000x160xf32, #tpu.memory_space<vmem_shared>> -> memref<640x160xf32, #tpu.memory_space<vmem_shared>>
          %dma_wait3A_484 = arith.constant 9360 : i32
          %dma_wait3A_485 = arith.constant 0 : i32
          %dma_wait3A_486 = tpu.memref_slice %arg5[%dma_wait3A_484, %dma_wait3A_485] : memref<10000x160xf32, #tpu.memory_space<hbm>> -> memref<640x160xf32, #tpu.memory_space<hbm>>
          tpu.wait_dma2 semaphore(%run_scoped3A : memref<!tpu.dma_semaphore, #tpu.memory_space<semaphore_mem>>) src(%dma_wait3A_486 : memref<640x160xf32, #tpu.memory_space<hbm>>) dst(%dma_wait3A_483 : memref<640x160xf32, #tpu.memory_space<vmem_shared>>)
          tpu.yield
        }) : () -> ()
      } else {
      }
    } else {
    }
    %eq3A_444 = arith.constant 1 : i32
    %eq3A_445 = arith.cmpi eq, %arg0, %eq3A_444 : i32
    %convert_element_type3A_446 = arith.extui %eq3A_445 : i1 to i32
    %cond3A_447 = arith.constant 0 : i32
    %cond3A_448 = arith.cmpi ne, %convert_element_type3A_446, %cond3A_447 : i32
    scf.if %cond3A_448 {
      %lt3A_467 = arith.constant 15 : i32
      %lt3A_468 = arith.cmpi slt, %arg1, %lt3A_467 : i32
      %convert_element_type3A_469 = arith.extui %lt3A_468 : i1 to i32
      %cond3A_470 = arith.constant 0 : i32
      %cond3A_471 = arith.cmpi ne, %convert_element_type3A_469, %cond3A_470 : i32
      scf.if %cond3A_471 {
        "tpu.region"() ({
          %run_scoped3A = tpu.sem_alloc : memref<!tpu.dma_semaphore, #tpu.memory_space<semaphore_mem>>
          %dma_start3A = arith.constant 0 : i32
          %dma_start3A_477 = tpu.memref_slice %arg12[%mul3A_440, %dma_start3A] : memref<10000x160xf32, #tpu.memory_space<vmem_shared>> -> memref<624x160xf32, #tpu.memory_space<vmem_shared>>
          %dma_start3A_478 = arith.constant 0 : i32
          %dma_start3A_479 = tpu.memref_slice %arg6[%mul3A_440, %dma_start3A_478] : memref<10000x160xf32, #tpu.memory_space<hbm>> -> memref<624x160xf32, #tpu.memory_space<hbm>>
          tpu.enqueue_dma source(%dma_start3A_479 : memref<624x160xf32, #tpu.memory_space<hbm>>) target(%dma_start3A_477 : memref<624x160xf32, #tpu.memory_space<vmem_shared>>) target_semaphore(%run_scoped3A : memref<!tpu.dma_semaphore, #tpu.memory_space<semaphore_mem>>)
          %dma_wait3A = arith.constant 0 : i32
          %dma_wait3A_480 = tpu.memref_slice %arg12[%mul3A_440, %dma_wait3A] : memref<10000x160xf32, #tpu.memory_space<vmem_shared>> -> memref<624x160xf32, #tpu.memory_space<vmem_shared>>
          %dma_wait3A_481 = arith.constant 0 : i32
          %dma_wait3A_482 = tpu.memref_slice %arg6[%mul3A_440, %dma_wait3A_481] : memref<10000x160xf32, #tpu.memory_space<hbm>> -> memref<624x160xf32, #tpu.memory_space<hbm>>
          tpu.wait_dma2 semaphore(%run_scoped3A : memref<!tpu.dma_semaphore, #tpu.memory_space<semaphore_mem>>) src(%dma_wait3A_482 : memref<624x160xf32, #tpu.memory_space<hbm>>) dst(%dma_wait3A_480 : memref<624x160xf32, #tpu.memory_space<vmem_shared>>)
          tpu.yield
        }) : () -> ()
      } else {
      }
      %eq3A_472 = arith.constant 15 : i32
      %eq3A_473 = arith.cmpi eq, %arg1, %eq3A_472 : i32
      %convert_element_type3A_474 = arith.extui %eq3A_473 : i1 to i32
      %cond3A_475 = arith.constant 0 : i32
      %cond3A_476 = arith.cmpi ne, %convert_element_type3A_474, %cond3A_475 : i32
      scf.if %cond3A_476 {
        "tpu.region"() ({
          %run_scoped3A = tpu.sem_alloc : memref<!tpu.dma_semaphore, #tpu.memory_space<semaphore_mem>>
          %dma_start3A = arith.constant 9360 : i32
          %dma_start3A_477 = arith.constant 0 : i32
          %dma_start3A_478 = tpu.memref_slice %arg12[%dma_start3A, %dma_start3A_477] : memref<10000x160xf32, #tpu.memory_space<vmem_shared>> -> memref<640x160xf32, #tpu.memory_space<vmem_shared>>
          %dma_start3A_479 = arith.constant 9360 : i32
          %dma_start3A_480 = arith.constant 0 : i32
          %dma_start3A_481 = tpu.memref_slice %arg6[%dma_start3A_479, %dma_start3A_480] : memref<10000x160xf32, #tpu.memory_space<hbm>> -> memref<640x160xf32, #tpu.memory_space<hbm>>
          tpu.enqueue_dma source(%dma_start3A_481 : memref<640x160xf32, #tpu.memory_space<hbm>>) target(%dma_start3A_478 : memref<640x160xf32, #tpu.memory_space<vmem_shared>>) target_semaphore(%run_scoped3A : memref<!tpu.dma_semaphore, #tpu.memory_space<semaphore_mem>>)
          %dma_wait3A = arith.constant 9360 : i32
          %dma_wait3A_482 = arith.constant 0 : i32
          %dma_wait3A_483 = tpu.memref_slice %arg12[%dma_wait3A, %dma_wait3A_482] : memref<10000x160xf32, #tpu.memory_space<vmem_shared>> -> memref<640x160xf32, #tpu.memory_space<vmem_shared>>
          %dma_wait3A_484 = arith.constant 9360 : i32
          %dma_wait3A_485 = arith.constant 0 : i32
          %dma_wait3A_486 = tpu.memref_slice %arg6[%dma_wait3A_484, %dma_wait3A_485] : memref<10000x160xf32, #tpu.memory_space<hbm>> -> memref<640x160xf32, #tpu.memory_space<hbm>>
          tpu.wait_dma2 semaphore(%run_scoped3A : memref<!tpu.dma_semaphore, #tpu.memory_space<semaphore_mem>>) src(%dma_wait3A_486 : memref<640x160xf32, #tpu.memory_space<hbm>>) dst(%dma_wait3A_483 : memref<640x160xf32, #tpu.memory_space<vmem_shared>>)
          tpu.yield
        }) : () -> ()
      } else {
      }
    } else {
    }
    %barrier3A = arith.constant 0 : index
    tpu.barrier barrier_id(%barrier3A)
    %mul3A_449 = arith.constant 10000 : i32
    %mul3A_450 = arith.muli %arg1, %mul3A_449 : i32
    %scan3A = arith.constant 0 : i32
    %scan3A_451 = arith.constant 0 : i32
    %scan3A_452 = arith.constant 125 : i32
    %scan3A_453 = arith.addi %scan3A_451, %scan3A_452 : i32
    %scan3A_454 = arith.constant 1 : i32
    scf.for %scan3A_467 = %scan3A_451 to %scan3A_453 step %scan3A_454  : i32 {
      %mul3A_468 = arith.constant 80 : i32
      %mul3A_469 = arith.muli %scan3A_467, %mul3A_468 : i32
      %add3A_470 = arith.addi %mul3A_450, %mul3A_469 : i32
      "tpu.region"() ({
        %run_scoped3A = tpu.sem_alloc : memref<!tpu.dma_semaphore, #tpu.memory_space<semaphore_mem>>
        %dma_start3A_616 = tpu.memref_slice %arg7[%add3A_470] : memref<160000xi32, #tpu.memory_space<hbm>> -> memref<80xi32, #tpu.memory_space<hbm>>
        %dma_start3A_617 = tpu.memref_slice %arg7[%add3A_470] : memref<160000xi32, #tpu.memory_space<hbm>> -> memref<80xi32, #tpu.memory_space<hbm>>
        tpu.enqueue_dma source(%dma_start3A_617 : memref<80xi32, #tpu.memory_space<hbm>>) target(%arg13 : memref<80xi32, #tpu.memory_space<vmem>>) target_semaphore(%run_scoped3A : memref<!tpu.dma_semaphore, #tpu.memory_space<semaphore_mem>>)
        %dma_wait3A_618 = tpu.memref_slice %arg7[%add3A_470] : memref<160000xi32, #tpu.memory_space<hbm>> -> memref<80xi32, #tpu.memory_space<hbm>>
        %dma_wait3A_619 = tpu.memref_slice %arg7[%add3A_470] : memref<160000xi32, #tpu.memory_space<hbm>> -> memref<80xi32, #tpu.memory_space<hbm>>
        tpu.wait_dma2 semaphore(%run_scoped3A : memref<!tpu.dma_semaphore, #tpu.memory_space<semaphore_mem>>) src(%dma_wait3A_619 : memref<80xi32, #tpu.memory_space<hbm>>) dst(%arg13 : memref<80xi32, #tpu.memory_space<vmem>>)
        tpu.yield
      }) : () -> ()
      "tpu.region"() ({
        %run_scoped3A = tpu.sem_alloc : memref<!tpu.dma_semaphore, #tpu.memory_space<semaphore_mem>>
        %dma_start3A_616 = tpu.memref_slice %arg8[%add3A_470] : memref<160000xi32, #tpu.memory_space<hbm>> -> memref<80xi32, #tpu.memory_space<hbm>>
        %dma_start3A_617 = tpu.memref_slice %arg8[%add3A_470] : memref<160000xi32, #tpu.memory_space<hbm>> -> memref<80xi32, #tpu.memory_space<hbm>>
        tpu.enqueue_dma source(%dma_start3A_617 : memref<80xi32, #tpu.memory_space<hbm>>) target(%arg14 : memref<80xi32, #tpu.memory_space<vmem>>) target_semaphore(%run_scoped3A : memref<!tpu.dma_semaphore, #tpu.memory_space<semaphore_mem>>)
        %dma_wait3A_618 = tpu.memref_slice %arg8[%add3A_470] : memref<160000xi32, #tpu.memory_space<hbm>> -> memref<80xi32, #tpu.memory_space<hbm>>
        %dma_wait3A_619 = tpu.memref_slice %arg8[%add3A_470] : memref<160000xi32, #tpu.memory_space<hbm>> -> memref<80xi32, #tpu.memory_space<hbm>>
        tpu.wait_dma2 semaphore(%run_scoped3A : memref<!tpu.dma_semaphore, #tpu.memory_space<semaphore_mem>>) src(%dma_wait3A_619 : memref<80xi32, #tpu.memory_space<hbm>>) dst(%arg14 : memref<80xi32, #tpu.memory_space<vmem>>)
        tpu.yield
      }) : () -> ()
      "tpu.region"() ({
        %run_scoped3A = tpu.sem_alloc : memref<!tpu.dma_semaphore, #tpu.memory_space<semaphore_mem>>
        %dma_start3A_616 = tpu.memref_slice %arg9[%add3A_470] : memref<160000xi32, #tpu.memory_space<hbm>> -> memref<80xi32, #tpu.memory_space<hbm>>
        %dma_start3A_617 = tpu.memref_slice %arg9[%add3A_470] : memref<160000xi32, #tpu.memory_space<hbm>> -> memref<80xi32, #tpu.memory_space<hbm>>
        tpu.enqueue_dma source(%dma_start3A_617 : memref<80xi32, #tpu.memory_space<hbm>>) target(%arg15 : memref<80xi32, #tpu.memory_space<vmem>>) target_semaphore(%run_scoped3A : memref<!tpu.dma_semaphore, #tpu.memory_space<semaphore_mem>>)
        %dma_wait3A_618 = tpu.memref_slice %arg9[%add3A_470] : memref<160000xi32, #tpu.memory_space<hbm>> -> memref<80xi32, #tpu.memory_space<hbm>>
        %dma_wait3A_619 = tpu.memref_slice %arg9[%add3A_470] : memref<160000xi32, #tpu.memory_space<hbm>> -> memref<80xi32, #tpu.memory_space<hbm>>
        tpu.wait_dma2 semaphore(%run_scoped3A : memref<!tpu.dma_semaphore, #tpu.memory_space<semaphore_mem>>) src(%dma_wait3A_619 : memref<80xi32, #tpu.memory_space<hbm>>) dst(%arg15 : memref<80xi32, #tpu.memory_space<vmem>>)
        tpu.yield
      }) : () -> ()
      %get3A = arith.constant 0 : index
      %get3A_471 = tpu.vector_load %arg15[%get3A] {strides = array<i32>} : memref<80xi32, #tpu.memory_space<vmem>>, vector<16xi32>,
      %get3A_472 = vector.shape_cast %get3A_471 : vector<16xi32> to vector<16xi32>
      %get3A_473 = arith.constant 0 : index
      %get3A_474 = tpu.vector_load %arg13[%get3A_473] {strides = array<i32>} : memref<80xi32, #tpu.memory_space<vmem>>, vector<16xi32>,
      %get3A_475 = vector.shape_cast %get3A_474 : vector<16xi32> to vector<16xi32>
      %mul3A_476 = arith.constant 20 : i32
      %mul3A_477 = vector.broadcast %mul3A_476 : i32 to vector<16xi32>
      %mul3A_478 = arith.muli %get3A_475, %mul3A_477 : vector<16xi32>
      %add3A_479 = arith.addi %mul3A_478, %get3A_472 : vector<16xi32>
      %swap3A = arith.constant 0 : index
      %swap3A_480 = tpu.vector_load %arg16[%swap3A] {strides = array<i32>} : memref<80xi32, #tpu.memory_space<vmem>>, vector<16xi32>,
      %swap3A_481 = vector.shape_cast %swap3A_480 : vector<16xi32> to vector<16xi32>
      %swap3A_482 = vector.shape_cast %add3A_479 : vector<16xi32> to vector<16xi32>
      tpu.vector_store %arg16[%swap3A], %swap3A_482 {strides = array<i32>} : memref<80xi32, #tpu.memory_space<vmem>>, vector<16xi32>,
      %get3A_483 = arith.constant 0 : index
      %get3A_484 = tpu.vector_load %arg14[%get3A_483] {strides = array<i32>} : memref<80xi32, #tpu.memory_space<vmem>>, vector<16xi32>,
      %get3A_485 = vector.shape_cast %get3A_484 : vector<16xi32> to vector<16xi32>
      %mul3A_486 = arith.constant 20 : i32
      %mul3A_487 = vector.broadcast %mul3A_486 : i32 to vector<16xi32>
      %mul3A_488 = arith.muli %get3A_485, %mul3A_487 : vector<16xi32>
      %add3A_489 = arith.addi %mul3A_488, %get3A_472 : vector<16xi32>
      %swap3A_490 = arith.constant 0 : index
      %swap3A_491 = tpu.vector_load %arg17[%swap3A_490] {strides = array<i32>} : memref<80xi32, #tpu.memory_space<vmem>>, vector<16xi32>,
      %swap3A_492 = vector.shape_cast %swap3A_491 : vector<16xi32> to vector<16xi32>
      %swap3A_493 = vector.shape_cast %add3A_489 : vector<16xi32> to vector<16xi32>
      tpu.vector_store %arg17[%swap3A_490], %swap3A_493 {strides = array<i32>} : memref<80xi32, #tpu.memory_space<vmem>>, vector<16xi32>,
      %get3A_494 = arith.constant 16 : index
      %get3A_495 = tpu.vector_load %arg15[%get3A_494] {strides = array<i32>} : memref<80xi32, #tpu.memory_space<vmem>>, vector<16xi32>,
      %get3A_496 = vector.shape_cast %get3A_495 : vector<16xi32> to vector<16xi32>
      %get3A_497 = arith.constant 16 : index
      %get3A_498 = tpu.vector_load %arg13[%get3A_497] {strides = array<i32>} : memref<80xi32, #tpu.memory_space<vmem>>, vector<16xi32>,
      %get3A_499 = vector.shape_cast %get3A_498 : vector<16xi32> to vector<16xi32>
      %mul3A_500 = arith.constant 20 : i32
      %mul3A_501 = vector.broadcast %mul3A_500 : i32 to vector<16xi32>
      %mul3A_502 = arith.muli %get3A_499, %mul3A_501 : vector<16xi32>
      %add3A_503 = arith.addi %mul3A_502, %get3A_496 : vector<16xi32>
      %swap3A_504 = arith.constant 16 : index
      %swap3A_505 = tpu.vector_load %arg16[%swap3A_504] {strides = array<i32>} : memref<80xi32, #tpu.memory_space<vmem>>, vector<16xi32>,
      %swap3A_506 = vector.shape_cast %swap3A_505 : vector<16xi32> to vector<16xi32>
      %swap3A_507 = vector.shape_cast %add3A_503 : vector<16xi32> to vector<16xi32>
      tpu.vector_store %arg16[%swap3A_504], %swap3A_507 {strides = array<i32>} : memref<80xi32, #tpu.memory_space<vmem>>, vector<16xi32>,
      %get3A_508 = arith.constant 16 : index
      %get3A_509 = tpu.vector_load %arg14[%get3A_508] {strides = array<i32>} : memref<80xi32, #tpu.memory_space<vmem>>, vector<16xi32>,
      %get3A_510 = vector.shape_cast %get3A_509 : vector<16xi32> to vector<16xi32>
      %mul3A_511 = arith.constant 20 : i32
      %mul3A_512 = vector.broadcast %mul3A_511 : i32 to vector<16xi32>
      %mul3A_513 = arith.muli %get3A_510, %mul3A_512 : vector<16xi32>
      %add3A_514 = arith.addi %mul3A_513, %get3A_496 : vector<16xi32>
      %swap3A_515 = arith.constant 16 : index
      %swap3A_516 = tpu.vector_load %arg17[%swap3A_515] {strides = array<i32>} : memref<80xi32, #tpu.memory_space<vmem>>, vector<16xi32>,
      %swap3A_517 = vector.shape_cast %swap3A_516 : vector<16xi32> to vector<16xi32>
      %swap3A_518 = vector.shape_cast %add3A_514 : vector<16xi32> to vector<16xi32>
      tpu.vector_store %arg17[%swap3A_515], %swap3A_518 {strides = array<i32>} : memref<80xi32, #tpu.memory_space<vmem>>, vector<16xi32>,
      %get3A_519 = arith.constant 32 : index
      %get3A_520 = tpu.vector_load %arg15[%get3A_519] {strides = array<i32>} : memref<80xi32, #tpu.memory_space<vmem>>, vector<16xi32>,
      %get3A_521 = vector.shape_cast %get3A_520 : vector<16xi32> to vector<16xi32>
      %get3A_522 = arith.constant 32 : index
      %get3A_523 = tpu.vector_load %arg13[%get3A_522] {strides = array<i32>} : memref<80xi32, #tpu.memory_space<vmem>>, vector<16xi32>,
      %get3A_524 = vector.shape_cast %get3A_523 : vector<16xi32> to vector<16xi32>
      %mul3A_525 = arith.constant 20 : i32
      %mul3A_526 = vector.broadcast %mul3A_525 : i32 to vector<16xi32>
      %mul3A_527 = arith.muli %get3A_524, %mul3A_526 : vector<16xi32>
      %add3A_528 = arith.addi %mul3A_527, %get3A_521 : vector<16xi32>
      %swap3A_529 = arith.constant 32 : index
      %swap3A_530 = tpu.vector_load %arg16[%swap3A_529] {strides = array<i32>} : memref<80xi32, #tpu.memory_space<vmem>>, vector<16xi32>,
      %swap3A_531 = vector.shape_cast %swap3A_530 : vector<16xi32> to vector<16xi32>
      %swap3A_532 = vector.shape_cast %add3A_528 : vector<16xi32> to vector<16xi32>
      tpu.vector_store %arg16[%swap3A_529], %swap3A_532 {strides = array<i32>} : memref<80xi32, #tpu.memory_space<vmem>>, vector<16xi32>,
      %get3A_533 = arith.constant 32 : index
      %get3A_534 = tpu.vector_load %arg14[%get3A_533] {strides = array<i32>} : memref<80xi32, #tpu.memory_space<vmem>>, vector<16xi32>,
      %get3A_535 = vector.shape_cast %get3A_534 : vector<16xi32> to vector<16xi32>
      %mul3A_536 = arith.constant 20 : i32
      %mul3A_537 = vector.broadcast %mul3A_536 : i32 to vector<16xi32>
      %mul3A_538 = arith.muli %get3A_535, %mul3A_537 : vector<16xi32>
      %add3A_539 = arith.addi %mul3A_538, %get3A_521 : vector<16xi32>
      %swap3A_540 = arith.constant 32 : index
      %swap3A_541 = tpu.vector_load %arg17[%swap3A_540] {strides = array<i32>} : memref<80xi32, #tpu.memory_space<vmem>>, vector<16xi32>,
      %swap3A_542 = vector.shape_cast %swap3A_541 : vector<16xi32> to vector<16xi32>
      %swap3A_543 = vector.shape_cast %add3A_539 : vector<16xi32> to vector<16xi32>
      tpu.vector_store %arg17[%swap3A_540], %swap3A_543 {strides = array<i32>} : memref<80xi32, #tpu.memory_space<vmem>>, vector<16xi32>,
      %get3A_544 = arith.constant 48 : index
      %get3A_545 = tpu.vector_load %arg15[%get3A_544] {strides = array<i32>} : memref<80xi32, #tpu.memory_space<vmem>>, vector<16xi32>,
      %get3A_546 = vector.shape_cast %get3A_545 : vector<16xi32> to vector<16xi32>
      %get3A_547 = arith.constant 48 : index
      %get3A_548 = tpu.vector_load %arg13[%get3A_547] {strides = array<i32>} : memref<80xi32, #tpu.memory_space<vmem>>, vector<16xi32>,
      %get3A_549 = vector.shape_cast %get3A_548 : vector<16xi32> to vector<16xi32>
      %mul3A_550 = arith.constant 20 : i32
      %mul3A_551 = vector.broadcast %mul3A_550 : i32 to vector<16xi32>
      %mul3A_552 = arith.muli %get3A_549, %mul3A_551 : vector<16xi32>
      %add3A_553 = arith.addi %mul3A_552, %get3A_546 : vector<16xi32>
      %swap3A_554 = arith.constant 48 : index
      %swap3A_555 = tpu.vector_load %arg16[%swap3A_554] {strides = array<i32>} : memref<80xi32, #tpu.memory_space<vmem>>, vector<16xi32>,
      %swap3A_556 = vector.shape_cast %swap3A_555 : vector<16xi32> to vector<16xi32>
      %swap3A_557 = vector.shape_cast %add3A_553 : vector<16xi32> to vector<16xi32>
      tpu.vector_store %arg16[%swap3A_554], %swap3A_557 {strides = array<i32>} : memref<80xi32, #tpu.memory_space<vmem>>, vector<16xi32>,
      %get3A_558 = arith.constant 48 : index
      %get3A_559 = tpu.vector_load %arg14[%get3A_558] {strides = array<i32>} : memref<80xi32, #tpu.memory_space<vmem>>, vector<16xi32>,
      %get3A_560 = vector.shape_cast %get3A_559 : vector<16xi32> to vector<16xi32>
      %mul3A_561 = arith.constant 20 : i32
      %mul3A_562 = vector.broadcast %mul3A_561 : i32 to vector<16xi32>
      %mul3A_563 = arith.muli %get3A_560, %mul3A_562 : vector<16xi32>
      %add3A_564 = arith.addi %mul3A_563, %get3A_546 : vector<16xi32>
      %swap3A_565 = arith.constant 48 : index
      %swap3A_566 = tpu.vector_load %arg17[%swap3A_565] {strides = array<i32>} : memref<80xi32, #tpu.memory_space<vmem>>, vector<16xi32>,
      %swap3A_567 = vector.shape_cast %swap3A_566 : vector<16xi32> to vector<16xi32>
      %swap3A_568 = vector.shape_cast %add3A_564 : vector<16xi32> to vector<16xi32>
      tpu.vector_store %arg17[%swap3A_565], %swap3A_568 {strides = array<i32>} : memref<80xi32, #tpu.memory_space<vmem>>, vector<16xi32>,
      %get3A_569 = arith.constant 64 : index
      %get3A_570 = tpu.vector_load %arg15[%get3A_569] {strides = array<i32>} : memref<80xi32, #tpu.memory_space<vmem>>, vector<16xi32>,
      %get3A_571 = vector.shape_cast %get3A_570 : vector<16xi32> to vector<16xi32>
      %get3A_572 = arith.constant 64 : index
      %get3A_573 = tpu.vector_load %arg13[%get3A_572] {strides = array<i32>} : memref<80xi32, #tpu.memory_space<vmem>>, vector<16xi32>,
      %get3A_574 = vector.shape_cast %get3A_573 : vector<16xi32> to vector<16xi32>
      %mul3A_575 = arith.constant 20 : i32
      %mul3A_576 = vector.broadcast %mul3A_575 : i32 to vector<16xi32>
      %mul3A_577 = arith.muli %get3A_574, %mul3A_576 : vector<16xi32>
      %add3A_578 = arith.addi %mul3A_577, %get3A_571 : vector<16xi32>
      %swap3A_579 = arith.constant 64 : index
      %swap3A_580 = tpu.vector_load %arg16[%swap3A_579] {strides = array<i32>} : memref<80xi32, #tpu.memory_space<vmem>>, vector<16xi32>,
      %swap3A_581 = vector.shape_cast %swap3A_580 : vector<16xi32> to vector<16xi32>
      %swap3A_582 = vector.shape_cast %add3A_578 : vector<16xi32> to vector<16xi32>
      tpu.vector_store %arg16[%swap3A_579], %swap3A_582 {strides = array<i32>} : memref<80xi32, #tpu.memory_space<vmem>>, vector<16xi32>,
      %get3A_583 = arith.constant 64 : index
      %get3A_584 = tpu.vector_load %arg14[%get3A_583] {strides = array<i32>} : memref<80xi32, #tpu.memory_space<vmem>>, vector<16xi32>,
      %get3A_585 = vector.shape_cast %get3A_584 : vector<16xi32> to vector<16xi32>
      %mul3A_586 = arith.constant 20 : i32
      %mul3A_587 = vector.broadcast %mul3A_586 : i32 to vector<16xi32>
      %mul3A_588 = arith.muli %get3A_585, %mul3A_587 : vector<16xi32>
      %add3A_589 = arith.addi %mul3A_588, %get3A_571 : vector<16xi32>
      %swap3A_590 = arith.constant 64 : index
      %swap3A_591 = tpu.vector_load %arg17[%swap3A_590] {strides = array<i32>} : memref<80xi32, #tpu.memory_space<vmem>>, vector<16xi32>,
      %swap3A_592 = vector.shape_cast %swap3A_591 : vector<16xi32> to vector<16xi32>
      %swap3A_593 = vector.shape_cast %add3A_589 : vector<16xi32> to vector<16xi32>
      tpu.vector_store %arg17[%swap3A_590], %swap3A_593 {strides = array<i32>} : memref<80xi32, #tpu.memory_space<vmem>>, vector<16xi32>,
      %dma_start3A = arith.constant 0 : i32
      %dma_start3A_594 = arith.constant 0 : i32
      %dma_start3A_595 = tpu.memref_slice %arg3[%dma_start3A, %dma_start3A_594] : memref<200000x16xf32, #tpu.memory_space<hbm>> -> memref<200000x16xf32, #tpu.memory_space<hbm>>
      tpu.enqueue_indirect_dma source(%dma_start3A_595 : memref<200000x16xf32, #tpu.memory_space<hbm>>) target(%arg18 : memref<80x16xf32, #tpu.memory_space<vmem>>) offsets(%arg16 : memref<80xi32, #tpu.memory_space<vmem>>) semaphore(%arg22 : memref<!tpu.dma_semaphore, #tpu.memory_space<semaphore_mem>>)
      %dma_start3A_596 = arith.constant 0 : i32
      %dma_start3A_597 = arith.constant 0 : i32
      %dma_start3A_598 = tpu.memref_slice %arg4[%dma_start3A_596, %dma_start3A_597] : memref<200000x16xf32, #tpu.memory_space<hbm>> -> memref<200000x16xf32, #tpu.memory_space<hbm>>
      tpu.enqueue_indirect_dma source(%dma_start3A_598 : memref<200000x16xf32, #tpu.memory_space<hbm>>) target(%arg19 : memref<80x16xf32, #tpu.memory_space<vmem>>) offsets(%arg17 : memref<80xi32, #tpu.memory_space<vmem>>) semaphore(%arg22 : memref<!tpu.dma_semaphore, #tpu.memory_space<semaphore_mem>>)
      %dma_start3A_599 = arith.constant 0 : i32
      %dma_start3A_600 = arith.constant 0 : i32
      %dma_start3A_601 = tpu.memref_slice %arg2[%dma_start3A_599, %dma_start3A_600] : memref<10000x64xf32, #tpu.memory_space<hbm>> -> memref<10000x64xf32, #tpu.memory_space<hbm>>
      tpu.enqueue_indirect_dma source(%dma_start3A_601 : memref<10000x64xf32, #tpu.memory_space<hbm>>) target(%arg20 : memref<80x64xf32, #tpu.memory_space<vmem>>) offsets(%arg13 : memref<80xi32, #tpu.memory_space<vmem>>) semaphore(%arg22 : memref<!tpu.dma_semaphore, #tpu.memory_space<semaphore_mem>>)
      %dma_wait3A = arith.constant 0 : i32
      %dma_wait3A_602 = arith.constant 0 : i32
      %dma_wait3A_603 = tpu.memref_slice %arg3[%dma_wait3A, %dma_wait3A_602] : memref<200000x16xf32, #tpu.memory_space<hbm>> -> memref<200000x16xf32, #tpu.memory_space<hbm>>
      tpu.wait_indirect_dma semaphore(%arg22 : memref<!tpu.dma_semaphore, #tpu.memory_space<semaphore_mem>>) src(%dma_wait3A_603 : memref<200000x16xf32, #tpu.memory_space<hbm>>) dst(%arg18 : memref<80x16xf32, #tpu.memory_space<vmem>>)
      %dma_wait3A_604 = arith.constant 0 : i32
      %dma_wait3A_605 = arith.constant 0 : i32
      %dma_wait3A_606 = tpu.memref_slice %arg4[%dma_wait3A_604, %dma_wait3A_605] : memref<200000x16xf32, #tpu.memory_space<hbm>> -> memref<200000x16xf32, #tpu.memory_space<hbm>>
      tpu.wait_indirect_dma semaphore(%arg22 : memref<!tpu.dma_semaphore, #tpu.memory_space<semaphore_mem>>) src(%dma_wait3A_606 : memref<200000x16xf32, #tpu.memory_space<hbm>>) dst(%arg19 : memref<80x16xf32, #tpu.memory_space<vmem>>)
      %dma_wait3A_607 = arith.constant 0 : i32
      %dma_wait3A_608 = arith.constant 0 : i32
      %dma_wait3A_609 = tpu.memref_slice %arg2[%dma_wait3A_607, %dma_wait3A_608] : memref<10000x64xf32, #tpu.memory_space<hbm>> -> memref<10000x64xf32, #tpu.memory_space<hbm>>
      tpu.wait_indirect_dma semaphore(%arg22 : memref<!tpu.dma_semaphore, #tpu.memory_space<semaphore_mem>>) src(%dma_wait3A_609 : memref<10000x64xf32, #tpu.memory_space<hbm>>) dst(%arg20 : memref<80x64xf32, #tpu.memory_space<vmem>>)
      %scan3A_610 = arith.constant 0 : i32
      %scan3A_611 = arith.constant 0 : i32
      %scan3A_612 = arith.constant 80 : i32
      %scan3A_613 = arith.addi %scan3A_611, %scan3A_612 : i32
      %scan3A_614 = arith.constant 1 : i32
      scf.for %scan3A_616 = %scan3A_611 to %scan3A_613 step %scan3A_614  : i32 {
        %get3A_617 = arith.index_cast %scan3A_616 : i32 to index
        %get3A_618 = arith.constant 0 : index
        %get3A_619 = tpu.vector_load %arg18[%get3A_617, %get3A_618] {strides = array<i32>} : memref<80x16xf32, #tpu.memory_space<vmem>>, vector<1x16xf32>,
        %get3A_620 = vector.shape_cast %get3A_619 : vector<1x16xf32> to vector<16xf32>
        %get3A_621 = arith.index_cast %scan3A_616 : i32 to index
        %get3A_622 = arith.constant 0 : index
        %get3A_623 = tpu.vector_load %arg19[%get3A_621, %get3A_622] {strides = array<i32>} : memref<80x16xf32, #tpu.memory_space<vmem>>, vector<1x16xf32>,
        %get3A_624 = vector.shape_cast %get3A_623 : vector<1x16xf32> to vector<16xf32>
        %add3A_625 = arith.addf %get3A_620, %get3A_624 : vector<16xf32>
        %mul3A_626 = arith.constant 0.00999999977 : f32
        %mul3A_627 = vector.broadcast %mul3A_626 : f32 to vector<16xf32>
        %mul3A_628 = arith.mulf %mul3A_627, %add3A_625 : vector<16xf32>
        %max3A = arith.maximumf %add3A_625, %mul3A_628 : vector<16xf32>
        %lt3A_629 = arith.constant 0 : i32
        %lt3A_630 = vector.broadcast %lt3A_629 : i32 to vector<16xi32>
        %lt3A_631 = arith.cmpi slt, %broadcast_in_dim3A, %lt3A_630 : vector<16xi32>
        %add3A_632 = arith.constant 16 : i32
        %add3A_633 = vector.broadcast %add3A_632 : i32 to vector<16xi32>
        %add3A_634 = arith.addi %broadcast_in_dim3A, %add3A_633 : vector<16xi32>
        %select_n3A_635 = arith.select %lt3A_631, %add3A_634, %broadcast_in_dim3A : vector<16xi1>, vector<16xi32>
        %broadcast_in_dim3A_636 = vector.shape_cast %select_n3A_635 : vector<16xi32> to vector<16x1xi32>
        %gather3A = vector.shape_cast %broadcast_in_dim3A_636 : vector<16x1xi32> to vector<16xi32>
        %gather3A_637 = tpu.dynamic_gather %max3A[%gather3A] in [0] : vector<16xf32>, vector<16xi32> -> vector<16xf32>
        %get3A_638 = arith.index_cast %scan3A_616 : i32 to index
        %get3A_639 = arith.index_cast %select_n3A_267 : i32 to index
        %get3A_640 = tpu.vector_load %arg20[%get3A_638, %get3A_639] {strides = array<i32>} : memref<80x64xf32, #tpu.memory_space<vmem>>, vector<1x16xf32>,
        %get3A_641 = vector.shape_cast %get3A_640 : vector<1x16xf32> to vector<16xf32>
        %mul3A_642 = arith.mulf %gather3A_637, %get3A_641 : vector<16xf32>
        %swap3A_643 = arith.index_cast %scan3A_616 : i32 to index
        %swap3A_644 = arith.constant 0 : index
        %swap3A_645 = tpu.vector_load %arg21[%swap3A_643, %swap3A_644] {strides = array<i32>} : memref<80x160xf32, #tpu.memory_space<vmem>>, vector<1x16xf32>,
        %swap3A_646 = vector.shape_cast %swap3A_645 : vector<1x16xf32> to vector<16xf32>
        %swap3A_647 = vector.shape_cast %mul3A_642 : vector<16xf32> to vector<1x16xf32>
        tpu.vector_store %arg21[%swap3A_643, %swap3A_644], %swap3A_647 {strides = array<i32>} : memref<80x160xf32, #tpu.memory_space<vmem>>, vector<1x16xf32>,
        %lt3A_648 = arith.constant 0 : i32
        %lt3A_649 = vector.broadcast %lt3A_648 : i32 to vector<16xi32>
        %lt3A_650 = arith.cmpi slt, %broadcast_in_dim3A_430, %lt3A_649 : vector<16xi32>
        %add3A_651 = arith.constant 16 : i32
        %add3A_652 = vector.broadcast %add3A_651 : i32 to vector<16xi32>
        %add3A_653 = arith.addi %broadcast_in_dim3A_430, %add3A_652 : vector<16xi32>
        %select_n3A_654 = arith.select %lt3A_650, %add3A_653, %broadcast_in_dim3A_430 : vector<16xi1>, vector<16xi32>
        %broadcast_in_dim3A_655 = vector.shape_cast %select_n3A_654 : vector<16xi32> to vector<16x1xi32>
        %gather3A_656 = vector.shape_cast %broadcast_in_dim3A_655 : vector<16x1xi32> to vector<16xi32>
        %gather3A_657 = tpu.dynamic_gather %max3A[%gather3A_656] in [0] : vector<16xf32>, vector<16xi32> -> vector<16xf32>
        %get3A_658 = arith.index_cast %scan3A_616 : i32 to index
        %get3A_659 = arith.index_cast %select_n3A_285 : i32 to index
        %get3A_660 = tpu.vector_load %arg20[%get3A_658, %get3A_659] {strides = array<i32>} : memref<80x64xf32, #tpu.memory_space<vmem>>, vector<1x16xf32>,
        %get3A_661 = vector.shape_cast %get3A_660 : vector<1x16xf32> to vector<16xf32>
        %mul3A_662 = arith.mulf %gather3A_657, %get3A_661 : vector<16xf32>
        %swap3A_663 = arith.index_cast %scan3A_616 : i32 to index
        %swap3A_664 = arith.constant 16 : index
        %swap3A_665 = tpu.vector_load %arg21[%swap3A_663, %swap3A_664] {strides = array<i32>} : memref<80x160xf32, #tpu.memory_space<vmem>>, vector<1x16xf32>,
        %swap3A_666 = vector.shape_cast %swap3A_665 : vector<1x16xf32> to vector<16xf32>
        %swap3A_667 = vector.shape_cast %mul3A_662 : vector<16xf32> to vector<1x16xf32>
        tpu.vector_store %arg21[%swap3A_663, %swap3A_664], %swap3A_667 {strides = array<i32>} : memref<80x160xf32, #tpu.memory_space<vmem>>, vector<1x16xf32>,
        %lt3A_668 = arith.constant 0 : i32
        %lt3A_669 = vector.broadcast %lt3A_668 : i32 to vector<16xi32>
        %lt3A_670 = arith.cmpi slt, %broadcast_in_dim3A_431, %lt3A_669 : vector<16xi32>
        %add3A_671 = arith.constant 16 : i32
        %add3A_672 = vector.broadcast %add3A_671 : i32 to vector<16xi32>
        %add3A_673 = arith.addi %broadcast_in_dim3A_431, %add3A_672 : vector<16xi32>
        %select_n3A_674 = arith.select %lt3A_670, %add3A_673, %broadcast_in_dim3A_431 : vector<16xi1>, vector<16xi32>
        %broadcast_in_dim3A_675 = vector.shape_cast %select_n3A_674 : vector<16xi32> to vector<16x1xi32>
        %gather3A_676 = vector.shape_cast %broadcast_in_dim3A_675 : vector<16x1xi32> to vector<16xi32>
        %gather3A_677 = tpu.dynamic_gather %max3A[%gather3A_676] in [0] : vector<16xf32>, vector<16xi32> -> vector<16xf32>
        %get3A_678 = arith.index_cast %scan3A_616 : i32 to index
        %get3A_679 = arith.index_cast %select_n3A_303 : i32 to index
        %get3A_680 = tpu.vector_load %arg20[%get3A_678, %get3A_679] {strides = array<i32>} : memref<80x64xf32, #tpu.memory_space<vmem>>, vector<1x16xf32>,
        %get3A_681 = vector.shape_cast %get3A_680 : vector<1x16xf32> to vector<16xf32>
        %mul3A_682 = arith.mulf %gather3A_677, %get3A_681 : vector<16xf32>
        %swap3A_683 = arith.index_cast %scan3A_616 : i32 to index
        %swap3A_684 = arith.constant 32 : index
        %swap3A_685 = tpu.vector_load %arg21[%swap3A_683, %swap3A_684] {strides = array<i32>} : memref<80x160xf32, #tpu.memory_space<vmem>>, vector<1x16xf32>,
        %swap3A_686 = vector.shape_cast %swap3A_685 : vector<1x16xf32> to vector<16xf32>
        %swap3A_687 = vector.shape_cast %mul3A_682 : vector<16xf32> to vector<1x16xf32>
        tpu.vector_store %arg21[%swap3A_683, %swap3A_684], %swap3A_687 {strides = array<i32>} : memref<80x160xf32, #tpu.memory_space<vmem>>, vector<1x16xf32>,
        %lt3A_688 = arith.constant 0 : i32
        %lt3A_689 = vector.broadcast %lt3A_688 : i32 to vector<16xi32>
        %lt3A_690 = arith.cmpi slt, %broadcast_in_dim3A_432, %lt3A_689 : vector<16xi32>
        %add3A_691 = arith.constant 16 : i32
        %add3A_692 = vector.broadcast %add3A_691 : i32 to vector<16xi32>
        %add3A_693 = arith.addi %broadcast_in_dim3A_432, %add3A_692 : vector<16xi32>
        %select_n3A_694 = arith.select %lt3A_690, %add3A_693, %broadcast_in_dim3A_432 : vector<16xi1>, vector<16xi32>
        %broadcast_in_dim3A_695 = vector.shape_cast %select_n3A_694 : vector<16xi32> to vector<16x1xi32>
        %gather3A_696 = vector.shape_cast %broadcast_in_dim3A_695 : vector<16x1xi32> to vector<16xi32>
        %gather3A_697 = tpu.dynamic_gather %max3A[%gather3A_696] in [0] : vector<16xf32>, vector<16xi32> -> vector<16xf32>
        %get3A_698 = arith.index_cast %scan3A_616 : i32 to index
        %get3A_699 = arith.index_cast %select_n3A_321 : i32 to index
        %get3A_700 = tpu.vector_load %arg20[%get3A_698, %get3A_699] {strides = array<i32>} : memref<80x64xf32, #tpu.memory_space<vmem>>, vector<1x16xf32>,
        %get3A_701 = vector.shape_cast %get3A_700 : vector<1x16xf32> to vector<16xf32>
        %mul3A_702 = arith.mulf %gather3A_697, %get3A_701 : vector<16xf32>
        %swap3A_703 = arith.index_cast %scan3A_616 : i32 to index
        %swap3A_704 = arith.constant 48 : index
        %swap3A_705 = tpu.vector_load %arg21[%swap3A_703, %swap3A_704] {strides = array<i32>} : memref<80x160xf32, #tpu.memory_space<vmem>>, vector<1x16xf32>,
        %swap3A_706 = vector.shape_cast %swap3A_705 : vector<1x16xf32> to vector<16xf32>
        %swap3A_707 = vector.shape_cast %mul3A_702 : vector<16xf32> to vector<1x16xf32>
        tpu.vector_store %arg21[%swap3A_703, %swap3A_704], %swap3A_707 {strides = array<i32>} : memref<80x160xf32, #tpu.memory_space<vmem>>, vector<1x16xf32>,
        %lt3A_708 = arith.constant 0 : i32
        %lt3A_709 = vector.broadcast %lt3A_708 : i32 to vector<16xi32>
        %lt3A_710 = arith.cmpi slt, %broadcast_in_dim3A_433, %lt3A_709 : vector<16xi32>
        %add3A_711 = arith.constant 16 : i32
        %add3A_712 = vector.broadcast %add3A_711 : i32 to vector<16xi32>
        %add3A_713 = arith.addi %broadcast_in_dim3A_433, %add3A_712 : vector<16xi32>
        %select_n3A_714 = arith.select %lt3A_710, %add3A_713, %broadcast_in_dim3A_433 : vector<16xi1>, vector<16xi32>
        %broadcast_in_dim3A_715 = vector.shape_cast %select_n3A_714 : vector<16xi32> to vector<16x1xi32>
        %gather3A_716 = vector.shape_cast %broadcast_in_dim3A_715 : vector<16x1xi32> to vector<16xi32>
        %gather3A_717 = tpu.dynamic_gather %max3A[%gather3A_716] in [0] : vector<16xf32>, vector<16xi32> -> vector<16xf32>
        %get3A_718 = arith.index_cast %scan3A_616 : i32 to index
        %get3A_719 = arith.index_cast %select_n3A_339 : i32 to index
        %get3A_720 = tpu.vector_load %arg20[%get3A_718, %get3A_719] {strides = array<i32>} : memref<80x64xf32, #tpu.memory_space<vmem>>, vector<1x16xf32>,
        %get3A_721 = vector.shape_cast %get3A_720 : vector<1x16xf32> to vector<16xf32>
        %mul3A_722 = arith.mulf %gather3A_717, %get3A_721 : vector<16xf32>
        %swap3A_723 = arith.index_cast %scan3A_616 : i32 to index
        %swap3A_724 = arith.constant 64 : index
        %swap3A_725 = tpu.vector_load %arg21[%swap3A_723, %swap3A_724] {strides = array<i32>} : memref<80x160xf32, #tpu.memory_space<vmem>>, vector<1x16xf32>,
        %swap3A_726 = vector.shape_cast %swap3A_725 : vector<1x16xf32> to vector<16xf32>
        %swap3A_727 = vector.shape_cast %mul3A_722 : vector<16xf32> to vector<1x16xf32>
        tpu.vector_store %arg21[%swap3A_723, %swap3A_724], %swap3A_727 {strides = array<i32>} : memref<80x160xf32, #tpu.memory_space<vmem>>, vector<1x16xf32>,
        %lt3A_728 = arith.constant 0 : i32
        %lt3A_729 = vector.broadcast %lt3A_728 : i32 to vector<16xi32>
        %lt3A_730 = arith.cmpi slt, %broadcast_in_dim3A_434, %lt3A_729 : vector<16xi32>
        %add3A_731 = arith.constant 16 : i32
        %add3A_732 = vector.broadcast %add3A_731 : i32 to vector<16xi32>
        %add3A_733 = arith.addi %broadcast_in_dim3A_434, %add3A_732 : vector<16xi32>
        %select_n3A_734 = arith.select %lt3A_730, %add3A_733, %broadcast_in_dim3A_434 : vector<16xi1>, vector<16xi32>
        %broadcast_in_dim3A_735 = vector.shape_cast %select_n3A_734 : vector<16xi32> to vector<16x1xi32>
        %gather3A_736 = vector.shape_cast %broadcast_in_dim3A_735 : vector<16x1xi32> to vector<16xi32>
        %gather3A_737 = tpu.dynamic_gather %max3A[%gather3A_736] in [0] : vector<16xf32>, vector<16xi32> -> vector<16xf32>
        %get3A_738 = arith.index_cast %scan3A_616 : i32 to index
        %get3A_739 = arith.index_cast %select_n3A_357 : i32 to index
        %get3A_740 = tpu.vector_load %arg20[%get3A_738, %get3A_739] {strides = array<i32>} : memref<80x64xf32, #tpu.memory_space<vmem>>, vector<1x16xf32>,
        %get3A_741 = vector.shape_cast %get3A_740 : vector<1x16xf32> to vector<16xf32>
        %mul3A_742 = arith.mulf %gather3A_737, %get3A_741 : vector<16xf32>
        %swap3A_743 = arith.index_cast %scan3A_616 : i32 to index
        %swap3A_744 = arith.constant 80 : index
        %swap3A_745 = tpu.vector_load %arg21[%swap3A_743, %swap3A_744] {strides = array<i32>} : memref<80x160xf32, #tpu.memory_space<vmem>>, vector<1x16xf32>,
        %swap3A_746 = vector.shape_cast %swap3A_745 : vector<1x16xf32> to vector<16xf32>
        %swap3A_747 = vector.shape_cast %mul3A_742 : vector<16xf32> to vector<1x16xf32>
        tpu.vector_store %arg21[%swap3A_743, %swap3A_744], %swap3A_747 {strides = array<i32>} : memref<80x160xf32, #tpu.memory_space<vmem>>, vector<1x16xf32>,
        %lt3A_748 = arith.constant 0 : i32
        %lt3A_749 = vector.broadcast %lt3A_748 : i32 to vector<16xi32>
        %lt3A_750 = arith.cmpi slt, %broadcast_in_dim3A_435, %lt3A_749 : vector<16xi32>
        %add3A_751 = arith.constant 16 : i32
        %add3A_752 = vector.broadcast %add3A_751 : i32 to vector<16xi32>
        %add3A_753 = arith.addi %broadcast_in_dim3A_435, %add3A_752 : vector<16xi32>
        %select_n3A_754 = arith.select %lt3A_750, %add3A_753, %broadcast_in_dim3A_435 : vector<16xi1>, vector<16xi32>
        %broadcast_in_dim3A_755 = vector.shape_cast %select_n3A_754 : vector<16xi32> to vector<16x1xi32>
        %gather3A_756 = vector.shape_cast %broadcast_in_dim3A_755 : vector<16x1xi32> to vector<16xi32>
        %gather3A_757 = tpu.dynamic_gather %max3A[%gather3A_756] in [0] : vector<16xf32>, vector<16xi32> -> vector<16xf32>
        %get3A_758 = arith.index_cast %scan3A_616 : i32 to index
        %get3A_759 = arith.index_cast %select_n3A_375 : i32 to index
        %get3A_760 = tpu.vector_load %arg20[%get3A_758, %get3A_759] {strides = array<i32>} : memref<80x64xf32, #tpu.memory_space<vmem>>, vector<1x16xf32>,
        %get3A_761 = vector.shape_cast %get3A_760 : vector<1x16xf32> to vector<16xf32>
        %mul3A_762 = arith.mulf %gather3A_757, %get3A_761 : vector<16xf32>
        %swap3A_763 = arith.index_cast %scan3A_616 : i32 to index
        %swap3A_764 = arith.constant 96 : index
        %swap3A_765 = tpu.vector_load %arg21[%swap3A_763, %swap3A_764] {strides = array<i32>} : memref<80x160xf32, #tpu.memory_space<vmem>>, vector<1x16xf32>,
        %swap3A_766 = vector.shape_cast %swap3A_765 : vector<1x16xf32> to vector<16xf32>
        %swap3A_767 = vector.shape_cast %mul3A_762 : vector<16xf32> to vector<1x16xf32>
        tpu.vector_store %arg21[%swap3A_763, %swap3A_764], %swap3A_767 {strides = array<i32>} : memref<80x160xf32, #tpu.memory_space<vmem>>, vector<1x16xf32>,
        %lt3A_768 = arith.constant 0 : i32
        %lt3A_769 = vector.broadcast %lt3A_768 : i32 to vector<16xi32>
        %lt3A_770 = arith.cmpi slt, %broadcast_in_dim3A_436, %lt3A_769 : vector<16xi32>
        %add3A_771 = arith.constant 16 : i32
        %add3A_772 = vector.broadcast %add3A_771 : i32 to vector<16xi32>
        %add3A_773 = arith.addi %broadcast_in_dim3A_436, %add3A_772 : vector<16xi32>
        %select_n3A_774 = arith.select %lt3A_770, %add3A_773, %broadcast_in_dim3A_436 : vector<16xi1>, vector<16xi32>
        %broadcast_in_dim3A_775 = vector.shape_cast %select_n3A_774 : vector<16xi32> to vector<16x1xi32>
        %gather3A_776 = vector.shape_cast %broadcast_in_dim3A_775 : vector<16x1xi32> to vector<16xi32>
        %gather3A_777 = tpu.dynamic_gather %max3A[%gather3A_776] in [0] : vector<16xf32>, vector<16xi32> -> vector<16xf32>
        %get3A_778 = arith.index_cast %scan3A_616 : i32 to index
        %get3A_779 = arith.index_cast %select_n3A_393 : i32 to index
        %get3A_780 = tpu.vector_load %arg20[%get3A_778, %get3A_779] {strides = array<i32>} : memref<80x64xf32, #tpu.memory_space<vmem>>, vector<1x16xf32>,
        %get3A_781 = vector.shape_cast %get3A_780 : vector<1x16xf32> to vector<16xf32>
        %mul3A_782 = arith.mulf %gather3A_777, %get3A_781 : vector<16xf32>
        %swap3A_783 = arith.index_cast %scan3A_616 : i32 to index
        %swap3A_784 = arith.constant 112 : index
        %swap3A_785 = tpu.vector_load %arg21[%swap3A_783, %swap3A_784] {strides = array<i32>} : memref<80x160xf32, #tpu.memory_space<vmem>>, vector<1x16xf32>,
        %swap3A_786 = vector.shape_cast %swap3A_785 : vector<1x16xf32> to vector<16xf32>
        %swap3A_787 = vector.shape_cast %mul3A_782 : vector<16xf32> to vector<1x16xf32>
        tpu.vector_store %arg21[%swap3A_783, %swap3A_784], %swap3A_787 {strides = array<i32>} : memref<80x160xf32, #tpu.memory_space<vmem>>, vector<1x16xf32>,
        %lt3A_788 = arith.constant 0 : i32
        %lt3A_789 = vector.broadcast %lt3A_788 : i32 to vector<16xi32>
        %lt3A_790 = arith.cmpi slt, %broadcast_in_dim3A_437, %lt3A_789 : vector<16xi32>
        %add3A_791 = arith.constant 16 : i32
        %add3A_792 = vector.broadcast %add3A_791 : i32 to vector<16xi32>
        %add3A_793 = arith.addi %broadcast_in_dim3A_437, %add3A_792 : vector<16xi32>
        %select_n3A_794 = arith.select %lt3A_790, %add3A_793, %broadcast_in_dim3A_437 : vector<16xi1>, vector<16xi32>
        %broadcast_in_dim3A_795 = vector.shape_cast %select_n3A_794 : vector<16xi32> to vector<16x1xi32>
        %gather3A_796 = vector.shape_cast %broadcast_in_dim3A_795 : vector<16x1xi32> to vector<16xi32>
        %gather3A_797 = tpu.dynamic_gather %max3A[%gather3A_796] in [0] : vector<16xf32>, vector<16xi32> -> vector<16xf32>
        %get3A_798 = arith.index_cast %scan3A_616 : i32 to index
        %get3A_799 = arith.index_cast %select_n3A_411 : i32 to index
        %get3A_800 = tpu.vector_load %arg20[%get3A_798, %get3A_799] {strides = array<i32>} : memref<80x64xf32, #tpu.memory_space<vmem>>, vector<1x16xf32>,
        %get3A_801 = vector.shape_cast %get3A_800 : vector<1x16xf32> to vector<16xf32>
        %mul3A_802 = arith.mulf %gather3A_797, %get3A_801 : vector<16xf32>
        %swap3A_803 = arith.index_cast %scan3A_616 : i32 to index
        %swap3A_804 = arith.constant 128 : index
        %swap3A_805 = tpu.vector_load %arg21[%swap3A_803, %swap3A_804] {strides = array<i32>} : memref<80x160xf32, #tpu.memory_space<vmem>>, vector<1x16xf32>,
        %swap3A_806 = vector.shape_cast %swap3A_805 : vector<1x16xf32> to vector<16xf32>
        %swap3A_807 = vector.shape_cast %mul3A_802 : vector<16xf32> to vector<1x16xf32>
        tpu.vector_store %arg21[%swap3A_803, %swap3A_804], %swap3A_807 {strides = array<i32>} : memref<80x160xf32, #tpu.memory_space<vmem>>, vector<1x16xf32>,
        %lt3A_808 = arith.constant 0 : i32
        %lt3A_809 = vector.broadcast %lt3A_808 : i32 to vector<16xi32>
        %lt3A_810 = arith.cmpi slt, %broadcast_in_dim3A_438, %lt3A_809 : vector<16xi32>
        %add3A_811 = arith.constant 16 : i32
        %add3A_812 = vector.broadcast %add3A_811 : i32 to vector<16xi32>
        %add3A_813 = arith.addi %broadcast_in_dim3A_438, %add3A_812 : vector<16xi32>
        %select_n3A_814 = arith.select %lt3A_810, %add3A_813, %broadcast_in_dim3A_438 : vector<16xi1>, vector<16xi32>
        %broadcast_in_dim3A_815 = vector.shape_cast %select_n3A_814 : vector<16xi32> to vector<16x1xi32>
        %gather3A_816 = vector.shape_cast %broadcast_in_dim3A_815 : vector<16x1xi32> to vector<16xi32>
        %gather3A_817 = tpu.dynamic_gather %max3A[%gather3A_816] in [0] : vector<16xf32>, vector<16xi32> -> vector<16xf32>
        %get3A_818 = arith.index_cast %scan3A_616 : i32 to index
        %get3A_819 = arith.index_cast %select_n3A_429 : i32 to index
        %get3A_820 = tpu.vector_load %arg20[%get3A_818, %get3A_819] {strides = array<i32>} : memref<80x64xf32, #tpu.memory_space<vmem>>, vector<1x16xf32>,
        %get3A_821 = vector.shape_cast %get3A_820 : vector<1x16xf32> to vector<16xf32>
        %mul3A_822 = arith.mulf %gather3A_817, %get3A_821 : vector<16xf32>
        %swap3A_823 = arith.index_cast %scan3A_616 : i32 to index
        %swap3A_824 = arith.constant 144 : index
        %swap3A_825 = tpu.vector_load %arg21[%swap3A_823, %swap3A_824] {strides = array<i32>} : memref<80x160xf32, #tpu.memory_space<vmem>>, vector<1x16xf32>,
        %swap3A_826 = vector.shape_cast %swap3A_825 : vector<1x16xf32> to vector<16xf32>
        %swap3A_827 = vector.shape_cast %mul3A_822 : vector<16xf32> to vector<1x16xf32>
        tpu.vector_store %arg21[%swap3A_823, %swap3A_824], %swap3A_827 {strides = array<i32>} : memref<80x160xf32, #tpu.memory_space<vmem>>, vector<1x16xf32>,
      }
      %scan3A_615 = arith.constant 80 : i32
      "tpu.region"() ({
        %run_scoped3A = tpu.sem_alloc : memref<!tpu.dma_semaphore, #tpu.memory_space<semaphore_mem>>
        %dma_start3A_616 = arith.constant 0 : i32
        %dma_start3A_617 = arith.constant 0 : i32
        %dma_start3A_618 = tpu.memref_slice %arg12[%dma_start3A_616, %dma_start3A_617] : memref<10000x160xf32, #tpu.memory_space<vmem_shared>> -> memref<10000x160xf32, #tpu.memory_space<vmem_shared>>
        tpu.enqueue_indirect_dma source(%arg21 : memref<80x160xf32, #tpu.memory_space<vmem>>) target(%dma_start3A_618 : memref<10000x160xf32, #tpu.memory_space<vmem_shared>>) offsets(%arg14 : memref<80xi32, #tpu.memory_space<vmem>>) semaphore(%run_scoped3A : memref<!tpu.dma_semaphore, #tpu.memory_space<semaphore_mem>>) {add = true}
        %dma_wait3A_619 = arith.constant 0 : i32
        %dma_wait3A_620 = arith.constant 0 : i32
        %dma_wait3A_621 = tpu.memref_slice %arg12[%dma_wait3A_619, %dma_wait3A_620] : memref<10000x160xf32, #tpu.memory_space<vmem_shared>> -> memref<10000x160xf32, #tpu.memory_space<vmem_shared>>
        tpu.wait_indirect_dma semaphore(%run_scoped3A : memref<!tpu.dma_semaphore, #tpu.memory_space<semaphore_mem>>) src(%arg21 : memref<80x160xf32, #tpu.memory_space<vmem>>) dst(%dma_wait3A_621 : memref<10000x160xf32, #tpu.memory_space<vmem_shared>>)
        tpu.yield
      }) : () -> ()
    }
    %scan3A_455 = arith.constant 125 : i32
    %barrier3A_456 = arith.constant 0 : index
    tpu.barrier barrier_id(%barrier3A_456)
    %eq3A_457 = arith.constant 0 : i32
    %eq3A_458 = arith.cmpi eq, %arg0, %eq3A_457 : i32
    %convert_element_type3A_459 = arith.extui %eq3A_458 : i1 to i32
    %cond3A_460 = arith.constant 0 : i32
    %cond3A_461 = arith.cmpi ne, %convert_element_type3A_459, %cond3A_460 : i32
    scf.if %cond3A_461 {
      %lt3A_467 = arith.constant 15 : i32
      %lt3A_468 = arith.cmpi slt, %arg1, %lt3A_467 : i32
      %convert_element_type3A_469 = arith.extui %lt3A_468 : i1 to i32
      %cond3A_470 = arith.constant 0 : i32
      %cond3A_471 = arith.cmpi ne, %convert_element_type3A_469, %cond3A_470 : i32
      scf.if %cond3A_471 {
        "tpu.region"() ({
          %run_scoped3A = tpu.sem_alloc : memref<!tpu.dma_semaphore, #tpu.memory_space<semaphore_mem>>
          %dma_start3A = arith.constant 0 : i32
          %dma_start3A_477 = tpu.memref_slice %arg10[%mul3A_440, %dma_start3A] : memref<10000x160xf32, #tpu.memory_space<hbm>> -> memref<624x160xf32, #tpu.memory_space<hbm>>
          %dma_start3A_478 = arith.constant 0 : i32
          %dma_start3A_479 = tpu.memref_slice %arg12[%mul3A_440, %dma_start3A_478] : memref<10000x160xf32, #tpu.memory_space<vmem_shared>> -> memref<624x160xf32, #tpu.memory_space<vmem_shared>>
          tpu.enqueue_dma source(%dma_start3A_479 : memref<624x160xf32, #tpu.memory_space<vmem_shared>>) target(%dma_start3A_477 : memref<624x160xf32, #tpu.memory_space<hbm>>) target_semaphore(%run_scoped3A : memref<!tpu.dma_semaphore, #tpu.memory_space<semaphore_mem>>)
          %dma_wait3A = arith.constant 0 : i32
          %dma_wait3A_480 = tpu.memref_slice %arg10[%mul3A_440, %dma_wait3A] : memref<10000x160xf32, #tpu.memory_space<hbm>> -> memref<624x160xf32, #tpu.memory_space<hbm>>
          %dma_wait3A_481 = arith.constant 0 : i32
          %dma_wait3A_482 = tpu.memref_slice %arg12[%mul3A_440, %dma_wait3A_481] : memref<10000x160xf32, #tpu.memory_space<vmem_shared>> -> memref<624x160xf32, #tpu.memory_space<vmem_shared>>
          tpu.wait_dma2 semaphore(%run_scoped3A : memref<!tpu.dma_semaphore, #tpu.memory_space<semaphore_mem>>) src(%dma_wait3A_482 : memref<624x160xf32, #tpu.memory_space<vmem_shared>>) dst(%dma_wait3A_480 : memref<624x160xf32, #tpu.memory_space<hbm>>)
          tpu.yield
        }) : () -> ()
      } else {
      }
      %eq3A_472 = arith.constant 15 : i32
      %eq3A_473 = arith.cmpi eq, %arg1, %eq3A_472 : i32
      %convert_element_type3A_474 = arith.extui %eq3A_473 : i1 to i32
      %cond3A_475 = arith.constant 0 : i32
      %cond3A_476 = arith.cmpi ne, %convert_element_type3A_474, %cond3A_475 : i32
      scf.if %cond3A_476 {
        "tpu.region"() ({
          %run_scoped3A = tpu.sem_alloc : memref<!tpu.dma_semaphore, #tpu.memory_space<semaphore_mem>>
          %dma_start3A = arith.constant 9360 : i32
          %dma_start3A_477 = arith.constant 0 : i32
          %dma_start3A_478 = tpu.memref_slice %arg10[%dma_start3A, %dma_start3A_477] : memref<10000x160xf32, #tpu.memory_space<hbm>> -> memref<640x160xf32, #tpu.memory_space<hbm>>
          %dma_start3A_479 = arith.constant 9360 : i32
          %dma_start3A_480 = arith.constant 0 : i32
          %dma_start3A_481 = tpu.memref_slice %arg12[%dma_start3A_479, %dma_start3A_480] : memref<10000x160xf32, #tpu.memory_space<vmem_shared>> -> memref<640x160xf32, #tpu.memory_space<vmem_shared>>
          tpu.enqueue_dma source(%dma_start3A_481 : memref<640x160xf32, #tpu.memory_space<vmem_shared>>) target(%dma_start3A_478 : memref<640x160xf32, #tpu.memory_space<hbm>>) target_semaphore(%run_scoped3A : memref<!tpu.dma_semaphore, #tpu.memory_space<semaphore_mem>>)
          %dma_wait3A = arith.constant 9360 : i32
          %dma_wait3A_482 = arith.constant 0 : i32
          %dma_wait3A_483 = tpu.memref_slice %arg10[%dma_wait3A, %dma_wait3A_482] : memref<10000x160xf32, #tpu.memory_space<hbm>> -> memref<640x160xf32, #tpu.memory_space<hbm>>
          %dma_wait3A_484 = arith.constant 9360 : i32
          %dma_wait3A_485 = arith.constant 0 : i32
          %dma_wait3A_486 = tpu.memref_slice %arg12[%dma_wait3A_484, %dma_wait3A_485] : memref<10000x160xf32, #tpu.memory_space<vmem_shared>> -> memref<640x160xf32, #tpu.memory_space<vmem_shared>>
          tpu.wait_dma2 semaphore(%run_scoped3A : memref<!tpu.dma_semaphore, #tpu.memory_space<semaphore_mem>>) src(%dma_wait3A_486 : memref<640x160xf32, #tpu.memory_space<vmem_shared>>) dst(%dma_wait3A_483 : memref<640x160xf32, #tpu.memory_space<hbm>>)
          tpu.yield
        }) : () -> ()
      } else {
      }
    } else {
    }
    %eq3A_462 = arith.constant 1 : i32
    %eq3A_463 = arith.cmpi eq, %arg0, %eq3A_462 : i32
    %convert_element_type3A_464 = arith.extui %eq3A_463 : i1 to i32
    %cond3A_465 = arith.constant 0 : i32
    %cond3A_466 = arith.cmpi ne, %convert_element_type3A_464, %cond3A_465 : i32
    scf.if %cond3A_466 {
      %lt3A_467 = arith.constant 15 : i32
      %lt3A_468 = arith.cmpi slt, %arg1, %lt3A_467 : i32
      %convert_element_type3A_469 = arith.extui %lt3A_468 : i1 to i32
      %cond3A_470 = arith.constant 0 : i32
      %cond3A_471 = arith.cmpi ne, %convert_element_type3A_469, %cond3A_470 : i32
      scf.if %cond3A_471 {
        "tpu.region"() ({
          %run_scoped3A = tpu.sem_alloc : memref<!tpu.dma_semaphore, #tpu.memory_space<semaphore_mem>>
          %dma_start3A = arith.constant 0 : i32
          %dma_start3A_477 = tpu.memref_slice %arg11[%mul3A_440, %dma_start3A] : memref<10000x160xf32, #tpu.memory_space<hbm>> -> memref<624x160xf32, #tpu.memory_space<hbm>>
          %dma_start3A_478 = arith.constant 0 : i32
          %dma_start3A_479 = tpu.memref_slice %arg12[%mul3A_440, %dma_start3A_478] : memref<10000x160xf32, #tpu.memory_space<vmem_shared>> -> memref<624x160xf32, #tpu.memory_space<vmem_shared>>
          tpu.enqueue_dma source(%dma_start3A_479 : memref<624x160xf32, #tpu.memory_space<vmem_shared>>) target(%dma_start3A_477 : memref<624x160xf32, #tpu.memory_space<hbm>>) target_semaphore(%run_scoped3A : memref<!tpu.dma_semaphore, #tpu.memory_space<semaphore_mem>>)
          %dma_wait3A = arith.constant 0 : i32
          %dma_wait3A_480 = tpu.memref_slice %arg11[%mul3A_440, %dma_wait3A] : memref<10000x160xf32, #tpu.memory_space<hbm>> -> memref<624x160xf32, #tpu.memory_space<hbm>>
          %dma_wait3A_481 = arith.constant 0 : i32
          %dma_wait3A_482 = tpu.memref_slice %arg12[%mul3A_440, %dma_wait3A_481] : memref<10000x160xf32, #tpu.memory_space<vmem_shared>> -> memref<624x160xf32, #tpu.memory_space<vmem_shared>>
          tpu.wait_dma2 semaphore(%run_scoped3A : memref<!tpu.dma_semaphore, #tpu.memory_space<semaphore_mem>>) src(%dma_wait3A_482 : memref<624x160xf32, #tpu.memory_space<vmem_shared>>) dst(%dma_wait3A_480 : memref<624x160xf32, #tpu.memory_space<hbm>>)
          tpu.yield
        }) : () -> ()
      } else {
      }
      %eq3A_472 = arith.constant 15 : i32
      %eq3A_473 = arith.cmpi eq, %arg1, %eq3A_472 : i32
      %convert_element_type3A_474 = arith.extui %eq3A_473 : i1 to i32
      %cond3A_475 = arith.constant 0 : i32
      %cond3A_476 = arith.cmpi ne, %convert_element_type3A_474, %cond3A_475 : i32
      scf.if %cond3A_476 {
        "tpu.region"() ({
          %run_scoped3A = tpu.sem_alloc : memref<!tpu.dma_semaphore, #tpu.memory_space<semaphore_mem>>
          %dma_start3A = arith.constant 9360 : i32
          %dma_start3A_477 = arith.constant 0 : i32
          %dma_start3A_478 = tpu.memref_slice %arg11[%dma_start3A, %dma_start3A_477] : memref<10000x160xf32, #tpu.memory_space<hbm>> -> memref<640x160xf32, #tpu.memory_space<hbm>>
          %dma_start3A_479 = arith.constant 9360 : i32
          %dma_start3A_480 = arith.constant 0 : i32
          %dma_start3A_481 = tpu.memref_slice %arg12[%dma_start3A_479, %dma_start3A_480] : memref<10000x160xf32, #tpu.memory_space<vmem_shared>> -> memref<640x160xf32, #tpu.memory_space<vmem_shared>>
          tpu.enqueue_dma source(%dma_start3A_481 : memref<640x160xf32, #tpu.memory_space<vmem_shared>>) target(%dma_start3A_478 : memref<640x160xf32, #tpu.memory_space<hbm>>) target_semaphore(%run_scoped3A : memref<!tpu.dma_semaphore, #tpu.memory_space<semaphore_mem>>)
          %dma_wait3A = arith.constant 9360 : i32
          %dma_wait3A_482 = arith.constant 0 : i32
          %dma_wait3A_483 = tpu.memref_slice %arg11[%dma_wait3A, %dma_wait3A_482] : memref<10000x160xf32, #tpu.memory_space<hbm>> -> memref<640x160xf32, #tpu.memory_space<hbm>>
          %dma_wait3A_484 = arith.constant 9360 : i32
          %dma_wait3A_485 = arith.constant 0 : i32
          %dma_wait3A_486 = tpu.memref_slice %arg12[%dma_wait3A_484, %dma_wait3A_485] : memref<10000x160xf32, #tpu.memory_space<vmem_shared>> -> memref<640x160xf32, #tpu.memory_space<vmem_shared>>
          tpu.wait_dma2 semaphore(%run_scoped3A : memref<!tpu.dma_semaphore, #tpu.memory_space<semaphore_mem>>) src(%dma_wait3A_486 : memref<640x160xf32, #tpu.memory_space<vmem_shared>>) dst(%dma_wait3A_483 : memref<640x160xf32, #tpu.memory_space<hbm>>)
          tpu.yield
        }) : () -> ()
      } else {
      }
    } else {
    }
    return
  }
}

module attributes {stable_mosaic.version = 14 : i64} {
  func.func @_tc_body(%arg0: i32, %arg1: memref<1000x128xf32, #tpu.memory_space<vmem>>, %arg2: memref<128x64xf32, #tpu.memory_space<vmem>>, %arg3: memref<64x320xf32, #tpu.memory_space<vmem>>, %arg4: memref<64x320xf32, #tpu.memory_space<vmem>>, %arg5: memref<128x320xf32, #tpu.memory_space<vmem>>, %arg6: memref<1000x64xf32, #tpu.memory_space<vmem>>, %arg7: memref<1000x320xf32, #tpu.memory_space<vmem>>, %arg8: memref<1000x320xf32, #tpu.memory_space<vmem>>, %arg9: memref<1000x320xf32, #tpu.memory_space<vmem>>) attributes {dimension_semantics = [#tpu.dimension_semantics<arbitrary>], iteration_bounds = array<i64: 10>, scalar_prefetch = 0 : i64, scratch_operands = 0 : i64, tpu.core_type = #tpu.core_type<tc>, window_params = [{transform_indices = @transform_0, window_bounds = array<i64: 1000, 128>}, {pipeline_mode = #tpu.pipeline_mode<synchronous>, transform_indices = @transform_1, window_bounds = array<i64: 128, 64>}, {pipeline_mode = #tpu.pipeline_mode<synchronous>, transform_indices = @transform_2, window_bounds = array<i64: 64, 320>}, {pipeline_mode = #tpu.pipeline_mode<synchronous>, transform_indices = @transform_3, window_bounds = array<i64: 64, 320>}, {pipeline_mode = #tpu.pipeline_mode<synchronous>, transform_indices = @transform_4, window_bounds = array<i64: 128, 320>}, {transform_indices = @transform_5, window_bounds = array<i64: 1000, 64>}, {transform_indices = @transform_6, window_bounds = array<i64: 1000, 320>}, {transform_indices = @transform_7, window_bounds = array<i64: 1000, 320>}, {transform_indices = @transform_8, window_bounds = array<i64: 1000, 320>}]} {
    %get3A = arith.constant 0 : index
    %get3A_0 = arith.constant 0 : index
    %get3A_1 = vector.load %arg1[%get3A, %get3A_0] : memref<1000x128xf32, #tpu.memory_space<vmem>>, vector<1000x128xf32>
    %get3A_2 = arith.constant 0 : index
    %get3A_3 = arith.constant 0 : index
    %get3A_4 = vector.load %arg2[%get3A_2, %get3A_3] : memref<128x64xf32, #tpu.memory_space<vmem>>, vector<128x64xf32>
    %dot_general3A = arith.constant dense<0.000000e+00> : vector<1000x64xf32>
    %dot_general3A_5 = tpu.matmul %get3A_1, %get3A_4, %dot_general3A {dimension_numbers = #tpu.dot_dimension_numbers<[1], [0], [0], [1], [0, 0, 1, 1], [], []>, transpose_lhs_hint = false} : vector<1000x128xf32>, vector<128x64xf32>, vector<1000x64xf32> -> vector<1000x64xf32>
    %swap3A = arith.constant 0 : index
    %swap3A_6 = arith.constant 0 : index
    %swap3A_7 = vector.load %arg6[%swap3A, %swap3A_6] : memref<1000x64xf32, #tpu.memory_space<vmem>>, vector<1000x64xf32>
    tpu.vector_store %arg6[%swap3A, %swap3A_6], %dot_general3A_5 {strides = array<i32>} : memref<1000x64xf32, #tpu.memory_space<vmem>>, vector<1000x64xf32>,
    %get3A_8 = arith.constant 0 : index
    %get3A_9 = arith.constant 0 : index
    %get3A_10 = vector.load %arg3[%get3A_8, %get3A_9] : memref<64x320xf32, #tpu.memory_space<vmem>>, vector<64x320xf32>
    %dot_general3A_11 = arith.constant dense<0.000000e+00> : vector<1000x320xf32>
    %dot_general3A_12 = tpu.matmul %dot_general3A_5, %get3A_10, %dot_general3A_11 {dimension_numbers = #tpu.dot_dimension_numbers<[1], [0], [0], [1], [0, 0, 1, 1], [], []>, transpose_lhs_hint = false} : vector<1000x64xf32>, vector<64x320xf32>, vector<1000x320xf32> -> vector<1000x320xf32>
    %swap3A_13 = arith.constant 0 : index
    %swap3A_14 = arith.constant 0 : index
    %swap3A_15 = vector.load %arg7[%swap3A_13, %swap3A_14] : memref<1000x320xf32, #tpu.memory_space<vmem>>, vector<1000x320xf32>
    tpu.vector_store %arg7[%swap3A_13, %swap3A_14], %dot_general3A_12 {strides = array<i32>} : memref<1000x320xf32, #tpu.memory_space<vmem>>, vector<1000x320xf32>,
    %get3A_16 = arith.constant 0 : index
    %get3A_17 = arith.constant 0 : index
    %get3A_18 = vector.load %arg4[%get3A_16, %get3A_17] : memref<64x320xf32, #tpu.memory_space<vmem>>, vector<64x320xf32>
    %dot_general3A_19 = arith.constant dense<0.000000e+00> : vector<1000x320xf32>
    %dot_general3A_20 = tpu.matmul %dot_general3A_5, %get3A_18, %dot_general3A_19 {dimension_numbers = #tpu.dot_dimension_numbers<[1], [0], [0], [1], [0, 0, 1, 1], [], []>, transpose_lhs_hint = false} : vector<1000x64xf32>, vector<64x320xf32>, vector<1000x320xf32> -> vector<1000x320xf32>
    %swap3A_21 = arith.constant 0 : index
    %swap3A_22 = arith.constant 0 : index
    %swap3A_23 = vector.load %arg8[%swap3A_21, %swap3A_22] : memref<1000x320xf32, #tpu.memory_space<vmem>>, vector<1000x320xf32>
    tpu.vector_store %arg8[%swap3A_21, %swap3A_22], %dot_general3A_20 {strides = array<i32>} : memref<1000x320xf32, #tpu.memory_space<vmem>>, vector<1000x320xf32>,
    %get3A_24 = arith.constant 0 : index
    %get3A_25 = arith.constant 0 : index
    %get3A_26 = vector.load %arg5[%get3A_24, %get3A_25] : memref<128x320xf32, #tpu.memory_space<vmem>>, vector<128x320xf32>
    %dot_general3A_27 = arith.constant dense<0.000000e+00> : vector<1000x320xf32>
    %dot_general3A_28 = tpu.matmul %get3A_1, %get3A_26, %dot_general3A_27 {dimension_numbers = #tpu.dot_dimension_numbers<[1], [0], [0], [1], [0, 0, 1, 1], [], []>, transpose_lhs_hint = false} : vector<1000x128xf32>, vector<128x320xf32>, vector<1000x320xf32> -> vector<1000x320xf32>
    %swap3A_29 = arith.constant 0 : index
    %swap3A_30 = arith.constant 0 : index
    %swap3A_31 = vector.load %arg9[%swap3A_29, %swap3A_30] : memref<1000x320xf32, #tpu.memory_space<vmem>>, vector<1000x320xf32>
    tpu.vector_store %arg9[%swap3A_29, %swap3A_30], %dot_general3A_28 {strides = array<i32>} : memref<1000x320xf32, #tpu.memory_space<vmem>>, vector<1000x320xf32>,
    return
  }
  func.func @transform_0(%arg0: i32) -> (i32, i32) {
    %c0_i32 = arith.constant 0 : i32
    %c0_i32_0 = arith.constant 0 : i32
    return %arg0, %c0_i32 : i32, i32
  }
  func.func @transform_1(%arg0: i32) -> (i32, i32) {
    %c0_i32 = arith.constant 0 : i32
    %c0_i32_0 = arith.constant 0 : i32
    %c0_i32_1 = arith.constant 0 : i32
    return %c0_i32, %c0_i32_0 : i32, i32
  }
  func.func @transform_2(%arg0: i32) -> (i32, i32) {
    %c0_i32 = arith.constant 0 : i32
    %c0_i32_0 = arith.constant 0 : i32
    %c0_i32_1 = arith.constant 0 : i32
    return %c0_i32, %c0_i32_0 : i32, i32
  }
  func.func @transform_3(%arg0: i32) -> (i32, i32) {
    %c0_i32 = arith.constant 0 : i32
    %c0_i32_0 = arith.constant 0 : i32
    %c0_i32_1 = arith.constant 0 : i32
    return %c0_i32, %c0_i32_0 : i32, i32
  }
  func.func @transform_4(%arg0: i32) -> (i32, i32) {
    %c0_i32 = arith.constant 0 : i32
    %c0_i32_0 = arith.constant 0 : i32
    %c0_i32_1 = arith.constant 0 : i32
    return %c0_i32, %c0_i32_0 : i32, i32
  }
  func.func @transform_5(%arg0: i32) -> (i32, i32) {
    %c0_i32 = arith.constant 0 : i32
    %c0_i32_0 = arith.constant 0 : i32
    return %arg0, %c0_i32 : i32, i32
  }
  func.func @transform_6(%arg0: i32) -> (i32, i32) {
    %c0_i32 = arith.constant 0 : i32
    %c0_i32_0 = arith.constant 0 : i32
    return %arg0, %c0_i32 : i32, i32
  }
  func.func @transform_7(%arg0: i32) -> (i32, i32) {
    %c0_i32 = arith.constant 0 : i32
    %c0_i32_0 = arith.constant 0 : i32
    return %arg0, %c0_i32 : i32, i32
  }
  func.func @transform_8(%arg0: i32) -> (i32, i32) {
    %c0_i32 = arith.constant 0 : i32
    %c0_i32_0 = arith.constant 0 : i32
    return %arg0, %c0_i32 : i32, i32
  }
}

</mosaic_0001>

<sc_bundles>
// kernel: kernel.4.cloned.1.call-start
scs
__scs_entry_jumppad:
0x0: {  	(pc) =	sbr.rel $0x88, $3  }
0x1: {  	(tag) =	ssettag $0x0;
	lr =	simm.s32 $0x1  }
0x2: {  	[smem:$0x3F9B] =	sst lr;
	_ =	strace $0xD0000000  }
0x3: {  	_ = 	snop  }
0x4: {  	_ = 	snop  }
0x5: {  	_ = 	snop  }
0x6: {  	_ = 	snop  }
0x7: {  	_ = 	snop  }
__scs_overlays_trampoline_lowered:
0x8: {  	[smem:$0x3FAA] =	sst s0  }
0x9: {  	[smem:$0x3FAB] =	sst s1  }
0xa: {  	[smem:$0x3FAC] =	sst s2  }
0xb: {  	[smem:$0x3FAD] =	sst s3  }
0xc: {  	[smem:$0x3FAE] =	sst s4  }
0xd: {  	[smem:$0x3FAF] =	sst s5  }
0xe: {  	[smem:$0x3FB0] =	sst s6  }
0xf: {  	[smem:$0x3FB1] =	sst s7  }
0x10: {  	[smem:$0x3FB2] =	sst s8  }
0x11: {  	[smem:$0x3FB3] =	sst s9;
	s0 =	simm.s32 @!p0 $0x0  }
0x12: {  	s1 =	sld [smem:$0x3F99];
	s0 =	simm.s32 @p0 $0x1  }
0x13: {  	[smem:$0x3FB4] =	sst s0;
	s0 =	simm.s32 @!p1 $0x0  }
0x14: {  	s2 =	sld [smem:$0x3F98];
	s0 =	simm.s32 @p1 $0x1  }
0x15: {  	[smem:$0x3FB5] =	sst s0;
	s0 =	simm.s32 @!p2 $0x0  }
0x16: {  	s3 =	sld [smem:$0x3FDB];
	s0 =	simm.s32 @p2 $0x1  }
0x17: {  	s4 =	simm.s32 $0x1BF5;
	[smem:$0x3FB7] =	sst s0  }
0x18: {  	s0 =	sld [smem:$0x3F9A];
	_ =	swait.ge [sflag:s4], $0x0  }
0x19: {  	s7 =	sld [smem:$0x3F9B]  }
0x1a: {  	s8 =	sadd.s32 $0xFFFFE003, lr  }
0x1b: {  	s9 =	sadd.s32 $0xFFFFFEF7, lr;
	s5 =	simm.s32 $0xFFFFFFFF;
	p2 =	slt.u32 s8, $0xFFFFF086  }
0x1c: {  	p1 =	slt.u32 s9, $0xF7A;
	s5 =	simm.s32 @!p2 $0x0  }
0x1d: {  	s5 =	simm.s32 @p1 $0x1;
	p0 =	seq.s32 s7, s2  }
0x1e: {  	s7 =	smul.u32 @!p0 $0xF7A, s2;
	p2 =	seq.s32 @!p0 s5, $0x0  }
0x1f: {  	s9 =	smul.u32 $0xF7A, s1;
	s8 =	simm.s32 @!p0 $0x1BF5;
	p2 =	por !p2, p0  }
0x20: {  	[sflag:s8] =	ssyncset.s32 @!p0 $0xFFFFF086;
	s6 =	sadd.s32 @!p0 s3, s7;
	s7 =	simm.s32 @!p0 $0x108  }
0x21: {  	s3 =	sadd.s32 s3, s9;
	s6 =	sadd.s32 @!p0 $0x88, s6;
	s7 =	simm.s32 @p2 $0x1082  }
0x22: {  	[simem:s7], [sflag:s8] =	dma.local @!p0 [hbm:s6], $0xF7A  }
0x23: {  	s9 =	sor.u32 $0xD0000000, s2;
	s6 =	simm.s32 $0x108;
	_ =	swait.ge @!p0 [sflag:s8], $0x0  }
0x24: {  	s3 =	sadd.s32 $0x88, s3;
	s6 =	simm.s32 @!p1 $0x1082;
	[sflag:s4] =	ssyncset.s32 $0xFFFFF086  }
0x25: {  	[simem:s6], [sflag:s4] =	dma.local [hbm:s3], $0xF7A  }
0x26: {  	[smem:$0x3F9B] =	sst s1;
	(tag) =	ssettag s2;
	_ =	strace s9  }
0x27: {  	s1 =	sld [smem:$0x3FAB]  }
0x28: {  	s2 =	sld [smem:$0x3FAC]  }
0x29: {  	s4 =	sld [smem:$0x3FAE]  }
0x2a: {  	p0 =	seq.s32 s5, $0x0;
	s5 =	sld [smem:$0x3FAF]  }
0x2b: {  	s6 =	sld [smem:$0x3FB0]  }
0x2c: {  	s7 =	sld [smem:$0x3FB1]  }
0x2d: {  	s3 =	simm.s32 $0x108;
	s8 =	sld [smem:$0x3FB2]  }
0x2e: {  	s3 =	simm.s32 @!p0 $0x1082;
	s9 =	sld [smem:$0x3FB3]  }
0x2f: {  	lr =	sadd.s32 s0, s3;
	s0 =	sld [smem:$0x3FAA]  }
0x30: {  	s3 =	sld [smem:$0x3FAD]  }
0x31: {  	[smem:$0x3FB6] =	sst s10  }
0x32: {  	s10 =	sld [smem:$0x3FB4];
	_ =	sdelay $0x3  }
0x33: {  	p0 =	seq.s32 s10, $0x1;
	s10 =	sld [smem:$0x3FB6];
	_ =	sdelay $0x3  }
0x34: {  	[smem:$0x3FB6] =	sst s10  }
0x35: {  	s10 =	sld [smem:$0x3FB5];
	_ =	sdelay $0x3  }
0x36: {  	p1 =	seq.s32 s10, $0x1;
	s10 =	sld [smem:$0x3FB6];
	_ =	sdelay $0x3  }
0x37: {  	[smem:$0x3FB6] =	sst s10  }
0x38: {  	s10 =	sld [smem:$0x3FB7]  }
0x39: {  	_ = 	snop;
	(pc) =	sbr.ind lr, $3  }
0x3a: {  	_ = 	snop  }
0x3b: {  	_ = 	snop  }
0x3c: {  	p2 =	seq.s32 s10, $0x1;
	s10 =	sld [smem:$0x3FB6]  }
0x3d: {  	_ =	shalt  }
0x3e: {  	_ =	shalt  }
0x3f: {  	_ =	shalt  }
0x40: {  	_ =	shalt  }
0x41: {  	_ =	shalt  }
0x42: {  	_ =	shalt  }
0x43: {  	_ =	shalt  }
0x44: {  	_ =	shalt  }
0x45: {  	_ =	shalt  }
0x46: {  	_ =	shalt  }
0x47: {  	_ =	shalt  }
0x48: {  	_ =	shalt  }
0x49: {  	_ =	shalt  }
0x4a: {  	_ =	shalt  }
0x4b: {  	_ =	shalt  }
0x4c: {  	_ =	shalt  }
0x4d: {  	_ =	shalt  }
0x4e: {  	_ =	shalt  }
0x4f: {  	_ =	shalt  }
0x50: {  	_ =	shalt  }
0x51: {  	_ =	shalt  }
0x52: {  	_ =	shalt  }
0x53: {  	_ =	shalt  }
0x54: {  	_ =	shalt  }
0x55: {  	_ =	shalt  }
0x56: {  	_ =	shalt  }
0x57: {  	_ =	shalt  }
0x58: {  	_ =	shalt  }
0x59: {  	_ =	shalt  }
0x5a: {  	_ =	shalt  }
0x5b: {  	_ =	shalt  }
0x5c: {  	_ =	shalt  }
0x5d: {  	_ =	shalt  }
0x5e: {  	_ =	shalt  }
0x5f: {  	_ =	shalt  }
0x60: {  	_ =	shalt  }
0x61: {  	_ =	shalt  }
0x62: {  	_ =	shalt  }
0x63: {  	_ =	shalt  }
0x64: {  	_ =	shalt  }
0x65: {  	_ =	shalt  }
0x66: {  	_ =	shalt  }
0x67: {  	_ =	shalt  }
0x68: {  	_ =	shalt  }
0x69: {  	_ =	shalt  }
0x6a: {  	_ =	shalt  }
0x6b: {  	_ =	shalt  }
0x6c: {  	_ =	shalt  }
0x6d: {  	_ =	shalt  }
0x6e: {  	_ =	shalt  }
0x6f: {  	_ =	shalt  }
0x70: {  	_ =	shalt  }
0x71: {  	_ =	shalt  }
0x72: {  	_ =	shalt  }
0x73: {  	_ =	shalt  }
0x74: {  	_ =	shalt  }
0x75: {  	_ =	shalt  }
0x76: {  	_ =	shalt  }
0x77: {  	_ =	shalt  }
0x78: {  	_ =	shalt  }
0x79: {  	_ =	shalt  }
0x7a: {  	_ =	shalt  }
0x7b: {  	_ =	shalt  }
0x7c: {  	_ =	shalt  }
0x7d: {  	_ =	shalt  }
0x7e: {  	_ =	shalt  }
0x7f: {  	_ =	shalt  }
0x80: {  	_ =	shalt  }
0x81: {  	_ =	shalt  }
0x82: {  	_ =	shalt  }
0x83: {  	_ =	shalt  }
0x84: {  	_ =	shalt  }
0x85: {  	_ =	shalt  }
0x86: {  	_ =	shalt  }
0x87: {  	_ =	shalt  }
.Lfunc_end0:
.L_simem_size_0:
called_computation_lowered:
.L_overlay_start_0:
0x88: {  	s2 =	sld [smem:$0x3FD9]  }
0x89: {  	s3 =	sld [smem:$0x3FFE];
	_ =	sdelay $0x1  }
0x8a: {  	s1 =	srdreg.scid  }
0x8b: {  	s0 =	sand.u32 $0x1, s1  }
0x8c: {  	s17 =	sshll.u32 s0, $0xA;
	s2 =	sadd.s32 s3, s2  }
0x8d: {  	s2 =	sadd.s32 s2, s17  }
0x8e: {  	[smem:$0x3FC2] =	sst s2  }
0x8f: {  	_ = 	snop  }
0x90: {  	s2 =	sld [smem:$0x3FC7]  }
0x91: {  	s18 =	sld [smem:$0x3FD0];
	(tm) =	ssettm $0x1  }
0x92: {  	s4 =	sld [smem:$0x3FFB];
	_ =	sdelay $0x3  }
0x93: {  	_ =	strace s4  }
0x94: {  	s4 =	sld [smem:$0x3FFC];
	_ =	sdelay $0x3  }
0x95: {  	_ =	strace s4  }
0x96: {  	s4 =	sld [smem:$0x3FFD];
	_ =	sdelay $0x3  }
0x97: {  	_ =	strace s4  }
0x98: {  	_ =	strace $0x8FFFFFFF  }
0x99: {  	s19 =	sld [smem:$0x3FDB];
	_ =	sdelay $0x1  }
0x9a: {  	s5 =	simm.s32 $_scs_section_size  }
0x9b: {  	s6 =	simm.s32 $_size__tile_overlayer_lowered;
	s7 =	simm.s32 $_tile_overlayer_lowered  }
0x9c: {  	s22 =	simm.s32 $0x1BFF;
	s21 =	sshll.u32 s7, $0x1;
	s4 =	sadd.s32 s5, s19  }
0x9d: {  	s8 =	simm.s32 $0x0;
	s20 =	sshll.u32 s6, $0x1;
	s6 =	sadd.s32 s21, s4  }
0x9e: {  	[timem:s8], [sflag:s22] =	dma.local [hbm:s6], s20  }
0x9f: {  	_ =	swait.ge [sflag:s22], s20  }
0xa0: {  	s5 =	ssub.s32 $0x0, s20;
	[sflag:s22] =	ssyncset.done $0x0  }
0xa1: {  	[sflag:s22] =	ssyncadd.s32 s5;
	_ =	sdelay $0x1  }
0xa2: {  	s23 =	simm.s32 $0x1B8B  }
0xa3: {  	_ =	swait.ge [sflag:s23], $0x1  }
0xa4: {  	[sflag:s23] =	ssyncset.done $0x0  }
0xa5: {  	s25 =	simm.s32 $0x1B8E;
	s24 =	sld [smem:$0x3FFE];
	[sflag:s23] =	ssyncadd.s32 $0xFFFFFFFF  }
0xa6: {  	s26 =	simm.s32 $execute0_lowered;
	[smem:$0x3FD2] =	sst s25  }
0xa7: {  	s6 =	sshll.u32 s26, $0x1;
	_ =	strace $0x80000046;
	[dreg:$0x1] =	wrdreg $0xFFFFFFFF  }
0xa8: {  	s28 =	simm.s32 $_size_execute0_lowered;
	s4 =	sadd.s32 s4, s6;
	[dreg:$0x0] =	wrdreg $0x0  }
0xa9: {  	s6 =	sshll.u32 s28, $0x1;
	[dreg:$0x2] =	wrdreg s4  }
0xaa: {  	[dreg:$0x3] =	wrdreg s6  }
0xab: {  	[dreg:$0x4] =	wrdreg $0xC0  }
0xac: {  	_ =	task [dreg:s8], $0x5FFFF  }
0xad: {  	[dreg:$0x1] =	wrdreg $0xFFFFFFFF  }
0xae: {  	[dreg:$0x0] =	wrdreg $0x60  }
0xaf: {  	[dreg:$0x2] =	wrdreg s24  }
0xb0: {  	[dreg:$0x3] =	wrdreg s18  }
0xb1: {  	[dreg:$0x4] =	wrdreg s2  }
0xb2: {  	[dreg:$0x5] =	wrdreg $0x0  }
0xb3: {  	[dreg:$0x6] =	wrdreg $0x9  }
0xb4: {  	_ =	task.clear_ibuf [dreg:s8], $0x7FFFF;
	_ =	strace $0x90000046  }
0xb5: {  	s29 =	simm.s32 $0x9;
	_ =	strace $0x80000048  }
0xb6: {  	_ =	swait.ge [sflag:s29], $0x1  }
0xb7: {  	[sflag:s29] =	ssyncadd.s32 $0xFFFFFFFF  }
0xb8: {  	_ =	strace $0x90000048  }
0xb9: {  	_ =	sfence  }
0xba: {  	s30 =	sld [smem:$0x0];
	_ =	sdelay $0x2  }
0xbb: {  	s31 =	sshll.u32 s1, $0xD;
	s1 =	sshrl.u32 s1, $0x2  }
0xbc: {  	s3 =	sand.u32 $0x4000, s31;
	s1 =	sadd.s32 s1, s30  }
0xbd: {  	s0 =	sor.u32 s3, s0;
	s1 =	sshll.u32 s1, $0x11  }
0xbe: {  	s0 =	sor.u32 s1, s0  }
0xbf: {  	s0 =	sadd.s32 $0x8F2B, s0  }
0xc0: {  	[sflag:s0] =	ssyncadd.remote.s32 $0x1  }
0xc1: {  	_ =	sfence.sel $0xFFFF  }
0xc2: {  	[dreg:$0x0] =	wrdreg $0xFFFFFFFF;
	(pc) =	sbr.abs _section_cstart, $3  }
0xc3: {  	[dreg:$0x1] =	wrdreg $0xFFFFFFFF  }
0xc4: {  	_ =	task.clear_ibuf [dreg:s8], $0x2FFFF;
	_ =	strace $0x9FFFFFFF  }
0xc5: {  	(tm) =	ssettm $0x7FFFFFFF  }
tec
execute0_lowered:
.L_overlay_start_1:
0x0: {  	(tag) =	ssettag $0x1  }
0x1: {  	s0 =	rddreg [dreg:$0x0]  }
0x2: {  	s1 =	rddreg [dreg:$0x1]  }
0x3: {  	s2 =	rddreg [dreg:$0x2]  }
0x4: {  	s3 =	rddreg [dreg:$0x3];
	s5 =	simm.s32 $0x0  }
0x5: {  	s23 =	stileid.u32;
	s4 =	srdreg.scid;
	s28 =	simm.s32 $0x50  }
0x6: {  	s29 =	simm.s32 $0x18790;
	s30 =	simm.s32 $0x187E0;
	s31 =	simm.s32 $0x19230  }
0x7: {  	[smem:$0x7FF] =	sst s5;
	s6 =	sadd.s32 $0x161A00, s0;
	s9 =	smul.u32 $0x18600, s23  }
0x8: {  	s10 =	sand.u32 $0x1, s4;
	s7 =	sadd.s32 $0x1E00, s0;
	s8 =	sadd.s32 $0xCA600, s0  }
0x9: {  	_ =	strace $0x80000047;
	s11 =	ssub.s32 $0x2, s10;
	s12 =	smul.u32 $0xA0, s10  }
0xa: {  	p0 =	seq.s32 s10, $0x1;
	p3 =	sne.s32 s10, $0x0;
	s13 =	sshrl.u32 s9, $0x3  }
0xb: {  	s14 =	sshrl.u32 s11, $0x1;
	s9 =	sadd.s32 s9, s3;
	p0 =	por !p0, !p0  }
0xc: {  	p1 =	seq.s32 @p3 s23, $0xF;
	p4 =	seq.s32 @!p3 s23, $0xF;
	s13 =	sadd.s32 s13, s0  }
0xd: {  	s11 =	ssub.s32 s11, s14;
	s19 =	sadd.s32 $0x20, s12;
	s15 =	sshrl.u32 s12, $0x6  }
0xe: {  	s20 =	sadd.s32 $0x30, s12;
	s21 =	sadd.s32 $0x40, s12;
	s18 =	sadd.s32 $0x50, s12  }
0xf: {  	s22 =	sadd.s32 $0x60, s12;
	s24 =	sadd.s32 $0x70, s12;
	s12 =	sadd.s32 $0x90, s12  }
0x10: {  	[dreg:$0x5] =	wrdreg s9;
	p2 =	por !p4, p3;
	s16 =	sshrl.u32 s19, $0x6  }
0x11: {  	s17 =	sshrl.u32 s20, $0x6;
	s19 =	sshrl.u32 s21, $0x6;
	s25 =	sadd.s32 $0x94800, s13  }
0x12: {  	s18 =	sshrl.u32 s18, $0x6;
	s26 =	sadd.s32 $0x63A00, s13;
	[dreg:$0x6] =	wrdreg s25  }
0x13: {  	s20 =	sshrl.u32 s22, $0x6;
	s14 =	sadd.s32 $0xCF600, s13;
	[dreg:$0x7] =	wrdreg s26  }
0x14: {  	s22 =	sshrl.u32 s24, $0x6;
	s21 =	sadd.s32 $0x100400, s13;
	[dreg:$0x8] =	wrdreg s14  }
0x15: {  	s12 =	sshrl.u32 s12, $0x6;
	s24 =	sadd.s32 $0xC2340, s0;
	[dreg:$0x9] =	wrdreg s21  }
0x16: {  	s13 =	smax.u32 s11, $0x1;
	s14 =	sadd.s32 $0xC5600, s0;
	[dreg:$0xa] =	wrdreg s24  }
0x17: {  	s25 =	sadd.s32 $0x91540, s0;
	s26 =	sadd.s32 $0xFD140, s0;
	[dreg:$0xe] =	wrdreg s13  }
0x18: {  	s0 =	sadd.s32 $0x12DF40, s0;
	s21 =	sxor.u32 $0xFFFFFFFF, s4;
	[dreg:$0xb] =	wrdreg s25  }
0x19: {  	s4 =	simm.s32 $0x1;
	s24 =	sshll.u32 s10, $0x5;
	[dreg:$0xc] =	wrdreg s26  }
0x1a: {  	v0 =	vmov s15;
	v1 =	vmov s16;
	v8 =	vmov s22;
	s22 =	simm.s32 $0x1;
	[dreg:$0xd] =	wrdreg s0;
	s4 =	simm.s32 @!p0 $0x0  }
0x1b: {  	v2 =	vmov s17;
	v3 =	vmov s19;
	v0 =	vbroadcast v0, $0x0;
	s0 =	sshll.u32 s21, $0x5;
	s25 =	sadd.s32 $0x2, s15;
	s9 =	sor.u32 $0x19240, s24  }
0x1c: {  	v4 =	vmov s18;
	s26 =	sadd.s32 $0x16DA00, s3;
	s21 =	smul.u32 $0x2710, s23;
	p0 =	por !p1, !p3;
	v1 =	vbroadcast v1, $0x0;
	v2 =	vbroadcast v2, $0x0  }
0x1d: {  	v7 =	vmov s20;
	p1 =	por p1, !p3;
	p3 =	por p4, p3;
	v3 =	vbroadcast v3, $0x0;
	v4 =	vbroadcast v4, $0x0;
	s23 =	simm.s32 $0x186A0  }
0x1e: {  	v11 =	vmov s12;
	s24 =	simm.s32 $0x2;
	v7 =	vbroadcast v7, $0x0;
	v8 =	vbroadcast v8, $0x0;
	s4 =	sshll.u32 s4, $0x5;
	s0 =	sand.u32 $0x20, s0  }
0x1f: {  	v11 =	vbroadcast v11, $0x0;
	[dreg:$0xf] =	wrdreg s26;
	v10 =	vmov s25;
	v5 =	vmov s9;
	s4 =	sadd.s32 $0x19230, s4;
	s0 =	sor.u32 $0x19240, s0  }
0x20: {  	s25 =	simm.s32 $0x186F0;
	s26 =	simm.s32 $0x18740;
	v10 =	vbroadcast v10, $0x0;
	v6 =	vmov s4;
	v9 =	vmov s0;
	s0 =	simm.s32 $0x1A630  }
.LBB2_1:
0x21: {  	s12 =	rddreg [dreg:$0xf]  }
0x22: {  	s9 =	simm.s32 @!p0 $0x1FC2;
	s10 =	rddreg [dreg:$0xa];
	s4 =	sshrl.u32 @!p0 s12, $0x3  }
0x23: {  	[spmem:s4], [sflag:s9] =	dma.local @!p0 [hbm:s10], $0x3200  }
0x24: {  	s13 =	stileid.u32;
	s9 =	simm.s32 @!p0 $0x2  }
0x25: {  	s10 =	sshll.u32 @!p1 s13, $0x6;
	_ =	swait.ge @!p0 [sflag:s9], $0x3200  }
0x26: {  	s10 =	sor.u32 @!p1 $0x1C02, s10;
	[sflag:s9] =	ssyncset.done @!p0 $0x0;
	s15 =	rddreg [dreg:$0x5]  }
0x27: {  	[sflag:s9] =	ssyncadd.s32 @!p0 $0xFFFFCE00;
	s11 =	sshrl.u32 @!p1 s15, $0x3;
	s9 =	rddreg [dreg:$0x6]  }
0x28: {  	[spmem:s11], [sflag:s10] =	dma.local @!p1 [hbm:s9], $0x30C0  }
0x29: {  	s9 =	simm.s32 @!p1 $0x2  }
0x2a: {  	_ =	swait.ge @!p1 [sflag:s9], $0x30C0  }
0x2b: {  	s12 =	sshrl.u32 @!p2 s12, $0x3;
	[sflag:s9] =	ssyncset.done @!p1 $0x0  }
0x2c: {  	s16 =	rddreg [dreg:$0xb];
	[sflag:s9] =	ssyncadd.s32 @!p1 $0xFFFFCF40;
	s9 =	simm.s32 @!p2 $0x1FC2  }
0x2d: {  	[spmem:s12], [sflag:s9] =	dma.local @!p2 [hbm:s16], $0x3200  }
0x2e: {  	s9 =	simm.s32 @!p2 $0x2  }
0x2f: {  	s13 =	sshll.u32 @!p3 s13, $0x6;
	_ =	swait.ge @!p2 [sflag:s9], $0x3200  }
0x30: {  	s13 =	sor.u32 @!p3 $0x1C02, s13;
	[sflag:s9] =	ssyncset.done @!p2 $0x0  }
0x31: {  	s15 =	sshrl.u32 @!p3 s15, $0x3;
	[sflag:s9] =	ssyncadd.s32 @!p2 $0xFFFFCE00;
	s9 =	rddreg [dreg:$0x7]  }
0x32: {  	[spmem:s15], [sflag:s13] =	dma.local @!p3 [hbm:s9], $0x30C0  }
0x33: {  	s9 =	simm.s32 @!p3 $0x2  }
0x34: {  	_ =	swait.ge @!p3 [sflag:s9], $0x30C0  }
0x35: {  	[sflag:s9] =	ssyncset.done @!p3 $0x0  }
0x36: {  	[sflag:s9] =	ssyncadd.s32 @!p3 $0xFFFFCF40  }
0x37: {  	s16 =	simm.s32 $0x0;
	[bflag:$0x0] =	sbarrier.arrive $0xFFFF  }
.LBB2_2:
0x38: {  	s9 =	smul.u32 $0x50, s16;
	_ =	sdelay $0x1  }
0x39: {  	s9 =	sadd.s32 s21, s9  }
0x3a: {  	s9 =	sshrl.u32 s9, $0x3  }
0x3b: {  	s18 =	simm.s32 $0x0;
	s17 =	sadd.s32 s8, s9  }
0x3c: {  	[tilespmem:s23], [sflag:$0x2] =	stream.linear.gather [hbm4b:s17+s18], $0x50, $0x38;
	[tilespmem:$0x1D830] =	vst v63  }
0x3d: {  	_ =	swait.ge [sflag:s24], $0x50  }
0x3e: {  	[sflag:s24] =	ssyncset.done $0x0  }
0x3f: {  	s19 =	sadd.s32 s14, s9;
	[sflag:s24] =	ssyncadd.s32 $0xFFFFFFB0  }
0x40: {  	[tilespmem:s25], [sflag:$0x2] =	stream.linear.gather [hbm4b:s19+s18], $0x50, $0x38;
	[tilespmem:$0x1D830] =	vst v63  }
0x41: {  	_ =	swait.ge [sflag:s24], $0x50  }
0x42: {  	[sflag:s24] =	ssyncset.done $0x0  }
0x43: {  	s9 =	sadd.s32 s2, s9;
	[sflag:s24] =	ssyncadd.s32 $0xFFFFFFB0  }
0x44: {  	[tilespmem:s26], [sflag:$0x2] =	stream.linear.gather [hbm4b:s9+s18], $0x50, $0x38;
	[tilespmem:$0x1D830] =	vst v63  }
0x45: {  	_ =	swait.ge [sflag:s24], $0x50  }
0x46: {  	[sflag:s24] =	ssyncset.done $0x0  }
0x47: {  	[sflag:s24] =	ssyncadd.s32 $0xFFFFFFB0  }
0x48: {  	v12 =	vld [tilespmem:$0x18740]  }
0x49: {  	v13 =	vld [tilespmem:$0x186A0]  }
0x4a: {  	v14 =	vld [tilespmem:$0x186F0]  }
0x4b: {  	v15 =	vld [tilespmem:$0x18750]  }
0x4c: {  	v16 =	vld [tilespmem:$0x186B0]  }
0x4d: {  	v17 =	vld [tilespmem:$0x18700]  }
0x4e: {  	v18 =	vld [tilespmem:$0x18760]  }
0x4f: {  	v19 =	vld [tilespmem:$0x186C0]  }
0x50: {  	v20 =	vld [tilespmem:$0x18710]  }
0x51: {  	v21 =	vld [tilespmem:$0x18770];
	v13 =	vmul.u32 $0x14, v13  }
0x52: {  	v22 =	vld [tilespmem:$0x186D0];
	v14 =	vmul.u32 $0x14, v14  }
0x53: {  	v23 =	vld [tilespmem:$0x18720];
	v16 =	vmul.u32 $0x14, v16;
	v13 =	vadd.s32 v12, v13  }
0x54: {  	v12 =	vadd.s32 v12, v14;
	v14 =	vld [tilespmem:$0x186E0];
	[tilespmem:$0x18790] =	vst v13;
	v13 =	vmul.u32 $0x14, v17  }
0x55: {  	v62 =	vld [tilespmem:$0x18730];
	v61 =	vmul.u32 $0x14, v19;
	[tilespmem:$0x187E0] =	vst v12;
	v12 =	vadd.s32 v15, v16  }
0x56: {  	[tilespmem:$0x187A0] =	vst v12;
	v12 =	vadd.s32 v15, v13;
	v13 =	vmul.u32 $0x14, v20;
	v15 =	vld [tilespmem:$0x18780]  }
0x57: {  	v63 =	vmul.u32 $0x14, v22;
	[tilespmem:$0x187F0] =	vst v12;
	v12 =	vadd.s32 v18, v61  }
0x58: {  	[tilespmem:$0x187B0] =	vst v12;
	v12 =	vadd.s32 v18, v13;
	v13 =	vmul.u32 $0x14, v23  }
0x59: {  	v14 =	vmul.u32 $0x14, v14;
	[tilespmem:$0x18800] =	vst v12;
	v12 =	vadd.s32 v21, v63  }
0x5a: {  	[tilespmem:$0x187C0] =	vst v12;
	v12 =	vadd.s32 v21, v13;
	v13 =	vmul.u32 $0x14, v62  }
0x5b: {  	[tilespmem:$0x18810] =	vst v12;
	v12 =	vadd.s32 v15, v14  }
0x5c: {  	[tilespmem:$0x187D0] =	vst v12;
	v12 =	vadd.s32 v15, v13  }
0x5d: {  	s17 =	simm.s32 $0x18830;
	[tilespmem:$0x18820] =	vst v12  }
0x5e: {  	[tilespmem:s17], [sflag:$0x1] =	stream.indirect.gather [hbm4b:s1+s28], $0x10, s29, s28, $0xb8;
	[tilespmem:$0x1D830] =	vst v63  }
0x5f: {  	s18 =	simm.s32 $0x18D30  }
0x60: {  	[tilespmem:s18], [sflag:$0x1] =	stream.indirect.gather [hbm4b:s7+s28], $0x10, s30, s28, $0xb8;
	[tilespmem:$0x1D830] =	vst v63  }
0x61: {  	_ = 	snop  }
0x62: {  	[tilespmem:s31], [sflag:$0x1] =	stream.indirect.gather [hbm4b:s6+s28], $0x40, s23, s28, $0xb8;
	[tilespmem:$0x1D830] =	vst v63  }
0x63: {  	_ =	swait.ge [sflag:s22], $0x500  }
0x64: {  	[sflag:s22] =	ssyncset.done $0x0  }
0x65: {  	[sflag:s22] =	ssyncadd.s32 $0xFFFFFB00  }
0x66: {  	_ =	swait.ge [sflag:s22], $0x500  }
0x67: {  	[sflag:s22] =	ssyncset.done $0x0  }
0x68: {  	[sflag:s22] =	ssyncadd.s32 $0xFFFFFB00  }
0x69: {  	_ =	swait.ge [sflag:s22], $0x1400  }
0x6a: {  	[sflag:s22] =	ssyncset.done $0x0  }
0x6b: {  	[sflag:s22] =	ssyncadd.s32 $0xFFFFEC00  }
0x6c: {  	v12 =	vld [tilespmem:s17+$0x0]  }
0x6d: {  	v13 =	vld [tilespmem:s18+$0x0];
	_ =	sdelay $0x4  }
0x6e: {  	v12 =	vadd.f32 v13, v12  }
0x6f: {  	s20 =	simm.s32 $0x0  }
0x70: {  	v13 =	vld.idx.msk [tilespmem:v5+s20+$0xFFFFFFF0 ss:$0x1], $0xffff;
	v14 =	vmul.f32 $9.999999770e-03, v12;
	_ =	sdelay $0x1  }
0x71: {  	v12 =	vmax.f32 v12, v14  }
0x72: {  	v14 =	vperm.xlane v12, v0;
	_ =	sdelay $0x1  }
0x73: {  	v13 =	vmul.f32 v13, v14  }
0x74: {  	s19 =	simm.s32 $0x1A680  }
0x75: {  	[tilespmem:s19+$0xFFFFFFB0] =	vst v13  }
0x76: {  	v13 =	vld.idx.msk [tilespmem:v5+s20+$0x0 ss:$0x1], $0xffff;
	_ =	sdelay $0x4  }
0x77: {  	v13 =	vmul.f32 v13, v14;
	_ =	sdelay $0x1  }
0x78: {  	[tilespmem:s19+$0xFFFFFFC0] =	vst v13  }
0x79: {  	v13 =	vld.idx.msk [tilespmem:v6+s20+$0x0 ss:$0x1], $0xffff;
	_ =	sdelay $0x2  }
0x7a: {  	v14 =	vperm.xlane v12, v1;
	_ =	sdelay $0x1  }
0x7b: {  	v13 =	vmul.f32 v13, v14;
	_ =	sdelay $0x1  }
0x7c: {  	[tilespmem:s19+$0xFFFFFFD0] =	vst v13  }
0x7d: {  	v13 =	vld.idx.msk [tilespmem:v9+s20+$0x0 ss:$0x1], $0xffff;
	_ =	sdelay $0x2  }
0x7e: {  	v14 =	vperm.xlane v12, v2;
	_ =	sdelay $0x1  }
0x7f: {  	v13 =	vmul.f32 v13, v14;
	_ =	sdelay $0x1  }
0x80: {  	[tilespmem:s19+$0xFFFFFFE0] =	vst v13  }
0x81: {  	v13 =	vld.idx.msk [tilespmem:v5+s20+$0xFFFFFFF0 ss:$0x1], $0xffff;
	_ =	sdelay $0x2  }
0x82: {  	v14 =	vperm.xlane v12, v3;
	_ =	sdelay $0x1  }
0x83: {  	v13 =	vmul.f32 v13, v14;
	_ =	sdelay $0x1  }
0x84: {  	[tilespmem:s19+$0xFFFFFFF0] =	vst v13  }
0x85: {  	v13 =	vld.idx.msk [tilespmem:v5+s20+$0x0 ss:$0x1], $0xffff;
	_ =	sdelay $0x2  }
0x86: {  	v14 =	vperm.xlane v12, v4;
	_ =	sdelay $0x1  }
0x87: {  	v13 =	vmul.f32 v13, v14;
	_ =	sdelay $0x1  }
0x88: {  	[tilespmem:s19+$0x0] =	vst v13  }
0x89: {  	v13 =	vld.idx.msk [tilespmem:v6+s20+$0x0 ss:$0x1], $0xffff;
	_ =	sdelay $0x2  }
0x8a: {  	v14 =	vperm.xlane v12, v7;
	_ =	sdelay $0x1  }
0x8b: {  	v13 =	vmul.f32 v13, v14;
	_ =	sdelay $0x1  }
0x8c: {  	[tilespmem:s19+$0x10] =	vst v13  }
0x8d: {  	v13 =	vld.idx.msk [tilespmem:v9+s20+$0x0 ss:$0x1], $0xffff;
	_ =	sdelay $0x2  }
0x8e: {  	v14 =	vperm.xlane v12, v8;
	_ =	sdelay $0x1  }
0x8f: {  	v13 =	vmul.f32 v13, v14;
	_ =	sdelay $0x1  }
0x90: {  	[tilespmem:s19+$0x20] =	vst v13  }
0x91: {  	v13 =	vld.idx.msk [tilespmem:v5+s20+$0xFFFFFFF0 ss:$0x1], $0xffff;
	_ =	sdelay $0x2  }
0x92: {  	v14 =	vperm.xlane v12, v10;
	_ =	sdelay $0x1  }
0x93: {  	v13 =	vmul.f32 v13, v14;
	_ =	sdelay $0x1  }
0x94: {  	[tilespmem:s19+$0x30] =	vst v13  }
0x95: {  	v13 =	vld.idx.msk [tilespmem:v5+s20+$0x0 ss:$0x1], $0xffff;
	_ =	sdelay $0x2  }
0x96: {  	v12 =	vperm.xlane v12, v11;
	_ =	sdelay $0x1  }
0x97: {  	s9 =	simm.s32 $0x100;
	v12 =	vmul.f32 v13, v12  }
.LBB2_3:
0x98: {  	_ = 	snop  }
0x99: {  	s17 =	sadd.s32 $0x10, s17;
	s18 =	sadd.s32 $0x10, s18;
	[tilespmem:s19+$0x40] =	vst v12;
	s19 =	sadd.s32 $0xA0, s19  }
0x9a: {  	p4 =	sne.s32 s9, $0x4F00;
	s20 =	smov.u32 s9;
	s9 =	sadd.s32 $0x100, s9;
	v12 =	vld [tilespmem:s17+$0x0]  }
0x9b: {  	v13 =	vld [tilespmem:s18+$0x0];
	_ =	sdelay $0x4  }
0x9c: {  	s20 =	sshra.s32 s20, $0x2;
	v12 =	vadd.f32 v13, v12  }
0x9d: {  	v13 =	vld.idx.msk [tilespmem:v5+s20+$0xFFFFFFF0 ss:$0x1], $0xffff  }
0x9e: {  	v14 =	vmul.f32 $9.999999770e-03, v12;
	_ =	sdelay $0x1  }
0x9f: {  	v12 =	vmax.f32 v12, v14  }
0xa0: {  	v14 =	vperm.xlane v12, v0;
	_ =	sdelay $0x1  }
0xa1: {  	v13 =	vmul.f32 v13, v14;
	_ =	sdelay $0x1  }
0xa2: {  	[tilespmem:s19+$0xFFFFFFB0] =	vst v13  }
0xa3: {  	v13 =	vld.idx.msk [tilespmem:v5+s20+$0x0 ss:$0x1], $0xffff;
	_ =	sdelay $0x5  }
0xa4: {  	v13 =	vmul.f32 v13, v14;
	_ =	sdelay $0x1  }
0xa5: {  	[tilespmem:s19+$0xFFFFFFC0] =	vst v13  }
0xa6: {  	v13 =	vld.idx.msk [tilespmem:v6+s20+$0x0 ss:$0x1], $0xffff;
	_ =	sdelay $0x3  }
0xa7: {  	v14 =	vperm.xlane v12, v1;
	_ =	sdelay $0x1  }
0xa8: {  	v13 =	vmul.f32 v13, v14;
	_ =	sdelay $0x1  }
0xa9: {  	[tilespmem:s19+$0xFFFFFFD0] =	vst v13  }
0xaa: {  	v13 =	vld.idx.msk [tilespmem:v9+s20+$0x0 ss:$0x1], $0xffff;
	_ =	sdelay $0x3  }
0xab: {  	v14 =	vperm.xlane v12, v2;
	_ =	sdelay $0x1  }
0xac: {  	v13 =	vmul.f32 v13, v14;
	_ =	sdelay $0x1  }
0xad: {  	[tilespmem:s19+$0xFFFFFFE0] =	vst v13  }
0xae: {  	v13 =	vld.idx.msk [tilespmem:v5+s20+$0xFFFFFFF0 ss:$0x1], $0xffff;
	_ =	sdelay $0x3  }
0xaf: {  	v14 =	vperm.xlane v12, v3;
	_ =	sdelay $0x1  }
0xb0: {  	v13 =	vmul.f32 v13, v14;
	_ =	sdelay $0x1  }
0xb1: {  	[tilespmem:s19+$0xFFFFFFF0] =	vst v13  }
0xb2: {  	v13 =	vld.idx.msk [tilespmem:v5+s20+$0x0 ss:$0x1], $0xffff;
	_ =	sdelay $0x3  }
0xb3: {  	v14 =	vperm.xlane v12, v4;
	_ =	sdelay $0x1  }
0xb4: {  	v13 =	vmul.f32 v13, v14;
	_ =	sdelay $0x1  }
0xb5: {  	[tilespmem:s19+$0x0] =	vst v13  }
0xb6: {  	v13 =	vld.idx.msk [tilespmem:v6+s20+$0x0 ss:$0x1], $0xffff;
	_ =	sdelay $0x3  }
0xb7: {  	v14 =	vperm.xlane v12, v7;
	_ =	sdelay $0x1  }
0xb8: {  	v13 =	vmul.f32 v13, v14;
	_ =	sdelay $0x1  }
0xb9: {  	[tilespmem:s19+$0x10] =	vst v13  }
0xba: {  	v13 =	vld.idx.msk [tilespmem:v9+s20+$0x0 ss:$0x1], $0xffff;
	_ =	sdelay $0x3  }
0xbb: {  	v14 =	vperm.xlane v12, v8;
	_ =	sdelay $0x1  }
0xbc: {  	v13 =	vmul.f32 v13, v14;
	_ =	sdelay $0x1  }
0xbd: {  	[tilespmem:s19+$0x20] =	vst v13  }
0xbe: {  	v13 =	vld.idx.msk [tilespmem:v5+s20+$0xFFFFFFF0 ss:$0x1], $0xffff;
	_ =	sdelay $0x3  }
0xbf: {  	v14 =	vperm.xlane v12, v10;
	_ =	sdelay $0x1  }
0xc0: {  	v13 =	vmul.f32 v13, v14;
	_ =	sdelay $0x1  }
0xc1: {  	[tilespmem:s19+$0x30] =	vst v13  }
0xc2: {  	v13 =	vld.idx.msk [tilespmem:v5+s20+$0x0 ss:$0x1], $0xffff;
	_ =	sdelay $0x1  }
.Ltmp0:
0xc3: {  	(pc) =	sbr.rel @p4 .LBB2_3-.Ltmp0, $3  }
0xc4: {  	_ = 	snop  }
0xc5: {  	v12 =	vperm.xlane v12, v11;
	_ =	sdelay $0x1  }
0xc6: {  	v12 =	vmul.f32 v13, v12  }
0xc7: {  	s16 =	sadd.s32 $0x1, s16  }
0xc8: {  	p4 =	sne.s32 s16, $0x7D  }
.Ltmp1:
0xc9: {  	[tilespmem:s19+$0x40] =	vst v12;
	(pc) =	sbr.rel @p4 .LBB2_2-.Ltmp1, $4  }
0xca: {  	[spmem:s3] =	stream.indirect.scatter.add.f32 [tilespmem:s0], [sflag:$0x2], $0xA0, s25, s28, $0xb8;
	[tilespmem:$0x1D830] =	vst v63  }
0xcb: {  	_ =	swait.ge [sflag:s24], $0x3200  }
0xcc: {  	[sflag:s24] =	ssyncset.done $0x0  }
0xcd: {  	[sflag:s24] =	ssyncadd.s32 $0xFFFFCE00  }
0xce: {  	[bflag:$0x0] =	sbarrier.arrive $0xFFFF  }
0xcf: {  	s9 =	simm.s32 @!p0 $0x1FC2;
	s16 =	rddreg [dreg:$0xc]  }
0xd0: {  	[hbm:s16], [sflag:s9] =	dma.local @!p0 [spmem:s4], $0x3200  }
0xd1: {  	s4 =	simm.s32 @!p0 $0x2  }
0xd2: {  	_ =	swait.ge @!p0 [sflag:s4], $0x3200  }
0xd3: {  	[sflag:s4] =	ssyncset.done @!p0 $0x0  }
0xd4: {  	[sflag:s4] =	ssyncadd.s32 @!p0 $0xFFFFCE00;
	s4 =	rddreg [dreg:$0x8]  }
0xd5: {  	[hbm:s4], [sflag:s10] =	dma.local @!p1 [spmem:s11], $0x30C0  }
0xd6: {  	s4 =	simm.s32 @!p1 $0x2  }
0xd7: {  	_ =	swait.ge @!p1 [sflag:s4], $0x30C0  }
0xd8: {  	[sflag:s4] =	ssyncset.done @!p1 $0x0  }
0xd9: {  	s9 =	rddreg [dreg:$0xd];
	[sflag:s4] =	ssyncadd.s32 @!p1 $0xFFFFCF40;
	s4 =	simm.s32 @!p2 $0x1FC2  }
0xda: {  	[hbm:s9], [sflag:s4] =	dma.local @!p2 [spmem:s12], $0x3200  }
0xdb: {  	s4 =	simm.s32 @!p2 $0x2  }
0xdc: {  	_ =	swait.ge @!p2 [sflag:s4], $0x3200  }
0xdd: {  	[sflag:s4] =	ssyncset.done @!p2 $0x0  }
0xde: {  	[sflag:s4] =	ssyncadd.s32 @!p2 $0xFFFFCE00;
	s4 =	rddreg [dreg:$0x9]  }
0xdf: {  	[hbm:s4], [sflag:s13] =	dma.local @!p3 [spmem:s15], $0x30C0  }
0xe0: {  	s4 =	simm.s32 @!p3 $0x2  }
0xe1: {  	_ =	swait.ge @!p3 [sflag:s4], $0x30C0  }
0xe2: {  	s5 =	sadd.s32 $0x1, s5;
	s20 =	rddreg [dreg:$0xe]  }
0xe3: {  	p4 =	sne.s32 s5, s20  }
.Ltmp2:
0xe4: {  	_ = 	snop;
	(pc) =	sbr.rel @p4 .LBB2_1-.Ltmp2, $3  }
0xe5: {  	_ =	sdelay $0x1  }
0xe6: {  	[sflag:s4] =	ssyncset.done @!p3 $0x0  }
0xe7: {  	[sflag:s4] =	ssyncadd.s32 @!p3 $0xFFFFCF40  }
0xe8: {  	_ =	sfence.sel $0x180000  }
0xe9: {  	[bflag:$0x0] =	sbarrier.arrive $0xFFFF  }
0xea: {  	_ =	strace $0x90000047  }
0xeb: {  	s0 =	stileid.u32;
	[bflag:$0x2] =	sbarrier.arrive $0xFFFF  }
0xec: {  	p0 =	sne.s32 s0, $0x0;
	s0 =	rddreg [dreg:$0x4]  }
0xed: {  	s0 =	sadd.s32 @!p0 $0x100000, s0  }
0xee: {  	[sflag:s0] =	ssyncadd.tile.s32 @!p0 $0x1;
	_ =	shalt  }
.Lfunc_end2:
_tile_overlayer_lowered:
.L_overlay_start_2:
0xef: {  	(tag) =	ssettag $0x2  }
0xf0: {  	s0 =	rddreg [dreg:$0x0];
	s2 =	stileid.u32  }
0xf1: {  	s1 =	rddreg [dreg:$0x1];
	p0 =	sne.s32 s2, $0x0  }
0xf2: {  	s3 =	rddreg [dreg:$0x2];
	[bflag:$0x3] =	sbarrier.arrive $0xFFFF;
	s2 =	simm.s32 @!p0 $0x1C02  }
0xf3: {  	[timem:s3], [sflag:s2] =	dma.local @!p0 [hbm:s0], s1  }
0xf4: {  	s0 =	simm.s32 @!p0 $0x2  }
0xf5: {  	_ =	swait.ge @!p0 [sflag:s0], s1  }
0xf6: {  	s1 =	ssub.s32 @!p0 $0x0, s1;
	[sflag:s0] =	ssyncset.done @!p0 $0x0  }
0xf7: {  	[sflag:s0] =	ssyncadd.s32 @!p0 s1  }
0xf8: {  	[bflag:$0x3] =	sbarrier.arrive $0xFFFF  }
0xf9: {  	_ =	shalt  }

</sc_bundles>
